<compile_context>
chip_gen: v7x
topology: tpu7x:2x2x1
jax: 0.10.2.dev20260603
libtpu: 0.0.44.dev20260713+nightly
codegen_flags: <defaults>
</compile_context>

<pallas_src>
import functools

import jax
import jax.numpy as jnp
import numpy as np
from jax import lax
from jax.experimental import pallas as pl
from jax.experimental.pallas import tpu as pltpu
from jax.experimental.pallas import tpu_sc as plsc

NC, NS, L = 2, 16, 16
NW = NC * NS
CHUNK = 250
NEG = np.float32(-1e30)
SLOPE = np.float32(0.2)


def _sc_body(rows_per_w, nchunk, x_hbm, v_hbm, pm_hbm, ps_hbm, pacc_hbm,
             vbuf, xbuf0, xbuf1, ebuf, stg_acc, stg_m, stg_s,
             sem0, sem1):
    wid = lax.axis_index("s") * NC + lax.axis_index("c")
    base = wid * rows_per_w

    pltpu.sync_copy(v_hbm, vbuf)
    vv = [vbuf[pl.ds(16 * g, 16)] for g in range(8)]

    def dma(c, buf, sem):
        return pltpu.make_async_copy(
            x_hbm.at[pl.ds(base + c * CHUNK, CHUNK), :], buf, sem)

    def process(buf, carry):
        acc, m, svec = carry

        def dot_row(r, m_blk):
            part = buf[r, pl.ds(0, 16)] * vv[0]
            for g in range(1, 8):
                part = part + buf[r, pl.ds(16 * g, 16)] * vv[g]
            e_r = jnp.sum(part)
            e_r = jnp.maximum(e_r, SLOPE * e_r)
            ebuf[r] = e_r
            return jnp.maximum(m_blk, e_r)
        m_blk = lax.fori_loop(0, CHUNK, dot_row, m, unroll=2)

        m_new = m_blk
        scale = jnp.exp(jnp.full((16,), m - m_new, jnp.float32))
        svec = svec * scale
        acc = tuple(a * scale for a in acc)

        def acc_row(r, c):
            a, sv = c
            pb = jnp.exp(jnp.full((16,), ebuf[r] - m_new, jnp.float32))
            a = tuple(a[g] + pb * buf[r, pl.ds(16 * g, 16)]
                      for g in range(8))
            return (a, sv + pb)
        acc, svec = lax.fori_loop(0, CHUNK, acc_row, (acc, svec), unroll=2)
        return (acc, m_new, svec)

    dma(0, xbuf0, sem0).start()
    init = (tuple(jnp.zeros((16,), jnp.float32) for _ in range(8)),
            NEG, jnp.zeros((16,), jnp.float32))

    def pair(i, carry):
        dma(2 * i, xbuf0, sem0).wait()
        dma(2 * i + 1, xbuf1, sem1).start()
        carry = process(xbuf0, carry)
        dma(2 * i + 1, xbuf1, sem1).wait()

        @pl.when(2 * i + 2 < nchunk)
        def _():
            dma(2 * i + 2, xbuf0, sem0).start()
        carry = process(xbuf1, carry)
        return carry

    acc, m, svec = lax.fori_loop(0, nchunk // 2, pair, init)

    for g in range(8):
        stg_acc[pl.ds(16 * g, 16)] = acc[g]
    stg_m[...] = jnp.full((16,), m, jnp.float32)
    stg_s[...] = svec * np.float32(1.0 / 16.0)
    pltpu.sync_copy(stg_acc, pacc_hbm.at[wid, :])
    pltpu.sync_copy(stg_m, pm_hbm.at[wid, :])
    pltpu.sync_copy(stg_s, ps_hbm.at[wid, :])


def _sc_partials(x2, v):
    rows = x2.shape[0]
    rows_per_w = rows // NW
    nchunk = rows_per_w // CHUNK
    mesh = plsc.VectorSubcoreMesh(core_axis_name="c", subcore_axis_name="s",
                                  num_cores=NC, num_subcores=NS)
    f32 = jnp.float32
    kern = pl.kernel(
        functools.partial(_sc_body, rows_per_w, nchunk),
        out_type=(jax.ShapeDtypeStruct((NW, 16), f32),
                  jax.ShapeDtypeStruct((NW, 16), f32),
                  jax.ShapeDtypeStruct((NW, 128), f32)),
        mesh=mesh,
        scratch_types=[
            pltpu.VMEM((128,), f32),
            pltpu.VMEM((CHUNK, 128), f32),
            pltpu.VMEM((CHUNK, 128), f32),
            pltpu.SMEM((CHUNK,), f32),
            pltpu.VMEM((128,), f32),
            pltpu.VMEM((16,), f32),
            pltpu.VMEM((16,), f32),
            pltpu.SemaphoreType.DMA,
            pltpu.SemaphoreType.DMA,
        ],
        compiler_params=pltpu.CompilerParams(use_tc_tiling_on_sc=False,
                                             needs_layout_passes=False),
    )
    return kern(x2, v)


def _v_body(a_ref, w_ref, v_ref):
    v_ref[...] = lax.dot_general(a_ref[...], w_ref[...],
                                 (((1,), (1,)), ((), ())),
                                 preferred_element_type=jnp.float32)


def _fin_body(b, pm_ref, ps_ref, pacc_ref, w_ref, g_ref, be_ref, y_ref):
    k = NW // b
    pm3 = pm_ref[...].reshape(b, k, 16)
    ps3 = ps_ref[...].reshape(b, k, 16)
    pa3 = pacc_ref[...].reshape(b, k, 128)
    m = pm3[:, :, 0:1]
    mx = jnp.max(m, axis=1, keepdims=True)
    u = jnp.exp(m - mx)
    s_part = jnp.sum(ps3, axis=2, keepdims=True)
    s_tot = jnp.sum(u * s_part, axis=1)
    svec = jnp.sum(u * pa3, axis=1)
    out = jnp.dot(svec / s_tot, w_ref[...],
                  preferred_element_type=jnp.float32)
    mu = jnp.mean(out, axis=1, keepdims=True)
    var = jnp.mean((out - mu) ** 2, axis=1, keepdims=True)
    y_ref[...] = (out - mu) * lax.rsqrt(var + 1e-5) * g_ref[...] + be_ref[...]


def kernel(x, node_mask, W, a_src, a_dst, ln_gamma, ln_beta):
    b, n, f = x.shape
    x2 = x.reshape(b * n, f)

    v = pl.pallas_call(
        _v_body,
        out_shape=jax.ShapeDtypeStruct((1, f), jnp.float32),
    )(a_src.reshape(1, f), W).reshape(f)

    pm, ps, pacc = _sc_partials(x2, v)

    y = pl.pallas_call(
        functools.partial(_fin_body, b),
        out_shape=jax.ShapeDtypeStruct((b, f), jnp.float32),
    )(pm, ps, pacc, W, ln_gamma.reshape(1, f), ln_beta.reshape(1, f))
    return y

# --- scband reference (transcript-rebuilt; emitter-appended) ---
"""Pipeline reference for scband-gat-aggregate-flatten-7009386627256 (READ-ONLY COPY).

The authoritative reference and input builder live on the scoring server;
editing this copy changes nothing except your own understanding.
"""

import jax, jax.numpy as jnp
import numpy as np

IN_F = 128
OUT_F = 128
T = 1.0
B = 4
N = 100000

def setup_inputs(seed: int = 0) -> dict:
    key = jax.random.key(seed)
    ks = jax.random.split(key, 6)
    x = jax.random.normal(ks[0], (B, N, IN_F), dtype=jnp.float32)
    node_mask = jnp.ones((B, N), dtype=bool)
    W = jax.random.normal(ks[1], (IN_F, OUT_F), dtype=jnp.float32) * (1.0 / np.sqrt(IN_F))
    a_src = jax.random.normal(ks[2], (OUT_F,), dtype=jnp.float32) * 0.1
    a_dst = jax.random.normal(ks[3], (OUT_F,), dtype=jnp.float32) * 0.1
    ln_gamma = jnp.ones((OUT_F,), dtype=jnp.float32)
    ln_beta = jnp.zeros((OUT_F,), dtype=jnp.float32)
    return {"x": x, "node_mask": node_mask, "W": W, "a_src": a_src, "a_dst": a_dst, "ln_gamma": ln_gamma, "ln_beta": ln_beta}

def reference(x, node_mask, W, a_src, a_dst, ln_gamma, ln_beta):
    # create_aggregate_to_new_root_edge: prepend a new root node (zeros) per graph;
    # add directed edges (src=i, dst=root) for every original node i; edge_mask = node_mask.
    b, n, _ = x.shape
    root = jnp.zeros((b, 1, x.shape[-1]), dtype=x.dtype)
    x_full = jnp.concatenate([root, x], axis=1)  # [B, N+1, IN_F]
    # GAT layer (edge_dim=0, directed, softmax per dst, temperature T)
    h = x_full @ W  # [B, N+1, OUT_F]
    h_src = h[:, 1:, :]                # message sources: original nodes
    h_root = h[:, 0, :]                # destination: new root node
    e = h_src @ a_src + (h_root @ a_dst)[:, None]   # [B, N] attention logits per edge
    e = jax.nn.leaky_relu(e, negative_slope=0.2) / T
    e = jnp.where(node_mask, e, jnp.float32(-1e9))  # edge_mask kills padded nodes
    # softmax per dst (all edges in a graph share dst=root)
    alpha = jax.nn.softmax(e, axis=-1)              # [B, N]
    # scatter-add messages to the root via segment_sum (dst segment = graph id)
    msgs = (alpha[..., None] * h_src).reshape(b * n, OUT_F)
    seg_ids = jnp.repeat(jnp.arange(b, dtype=jnp.int32), n)
    out_root = jax.ops.segment_sum(msgs, seg_ids, num_segments=b)  # [B, OUT_F]
    # x[..., 0, :] is the root output -> LayerNorm
    mu = out_root.mean(axis=-1, keepdims=True)
    var = out_root.var(axis=-1, keepdims=True)
    y = (out_root - mu) / jnp.sqrt(var + 1e-5) * ln_gamma + ln_beta
    return y

if __name__ == "__main__":
    import jax
    _d = setup_inputs()
    print(jax.jit(kernel)(*tuple(_d.values())))

</pallas_src>

<mosaic_0001>
#map = affine_map<(d0, d1) -> (0, 0)>
#map1 = affine_map<(d0, d1) -> (0)>
module attributes {stable_mosaic.version = 14 : i64} {
  func.func @_sc_body(%arg0: i32, %arg1: i32, %arg2: memref<400000x128xf32, #tpu.memory_space<hbm>>, %arg3: memref<128xf32, #tpu.memory_space<hbm>>, %arg4: memref<32x16xf32, #tpu.memory_space<hbm>>, %arg5: memref<32x16xf32, #tpu.memory_space<hbm>>, %arg6: memref<32x128xf32, #tpu.memory_space<hbm>>, %arg7: memref<128xf32, #tpu.memory_space<vmem>>, %arg8: memref<250x128xf32, #tpu.memory_space<vmem>>, %arg9: memref<250x128xf32, #tpu.memory_space<vmem>>, %arg10: memref<250xf32, #tpu.memory_space<smem>>, %arg11: memref<128xf32, #tpu.memory_space<vmem>>, %arg12: memref<16xf32, #tpu.memory_space<vmem>>, %arg13: memref<16xf32, #tpu.memory_space<vmem>>, %arg14: memref<!tpu.dma_semaphore, #tpu.memory_space<semaphore_mem>>, %arg15: memref<!tpu.dma_semaphore, #tpu.memory_space<semaphore_mem>>) attributes {dimension_semantics = [#tpu.dimension_semantics<core_parallel>, #tpu.dimension_semantics<subcore_parallel>], iteration_bounds = array<i64: 2, 16>, scalar_prefetch = 0 : i64, scratch_operands = 9 : i64, tpu.core_type = #tpu.core_type<sc_vector_subcore>, window_params = [{transform_indices = #map}, {transform_indices = #map1}, {transform_indices = #map}, {transform_indices = #map}, {transform_indices = #map}]} {
    %mul3A = arith.constant 2 : i32
    %mul3A_0 = arith.muli %arg1, %mul3A : i32
    %add3A = arith.addi %mul3A_0, %arg0 : i32
    %mul3A_1 = arith.constant 12500 : i32
    %mul3A_2 = arith.muli %add3A, %mul3A_1 : i32
    "tpu.region"() ({
      %run_scoped3A = tpu.sem_alloc : memref<!tpu.dma_semaphore, #tpu.memory_space<semaphore_mem>>
      tpu.enqueue_dma source(%arg3 : memref<128xf32, #tpu.memory_space<hbm>>) target(%arg7 : memref<128xf32, #tpu.memory_space<vmem>>) target_semaphore(%run_scoped3A : memref<!tpu.dma_semaphore, #tpu.memory_space<semaphore_mem>>)
      tpu.wait_dma2 semaphore(%run_scoped3A : memref<!tpu.dma_semaphore, #tpu.memory_space<semaphore_mem>>) src(%arg3 : memref<128xf32, #tpu.memory_space<hbm>>) dst(%arg7 : memref<128xf32, #tpu.memory_space<vmem>>)
      tpu.yield
    }) : () -> ()
    %get3A = arith.constant 0 : index
    %get3A_3 = tpu.vector_load %arg7[%get3A] {strides = array<i32>} : memref<128xf32, #tpu.memory_space<vmem>>, vector<16xf32>,
    %get3A_4 = arith.constant 16 : index
    %get3A_5 = tpu.vector_load %arg7[%get3A_4] {strides = array<i32>} : memref<128xf32, #tpu.memory_space<vmem>>, vector<16xf32>,
    %get3A_6 = arith.constant 32 : index
    %get3A_7 = tpu.vector_load %arg7[%get3A_6] {strides = array<i32>} : memref<128xf32, #tpu.memory_space<vmem>>, vector<16xf32>,
    %get3A_8 = arith.constant 48 : index
    %get3A_9 = tpu.vector_load %arg7[%get3A_8] {strides = array<i32>} : memref<128xf32, #tpu.memory_space<vmem>>, vector<16xf32>,
    %get3A_10 = arith.constant 64 : index
    %get3A_11 = tpu.vector_load %arg7[%get3A_10] {strides = array<i32>} : memref<128xf32, #tpu.memory_space<vmem>>, vector<16xf32>,
    %get3A_12 = arith.constant 80 : index
    %get3A_13 = tpu.vector_load %arg7[%get3A_12] {strides = array<i32>} : memref<128xf32, #tpu.memory_space<vmem>>, vector<16xf32>,
    %get3A_14 = arith.constant 96 : index
    %get3A_15 = tpu.vector_load %arg7[%get3A_14] {strides = array<i32>} : memref<128xf32, #tpu.memory_space<vmem>>, vector<16xf32>,
    %get3A_16 = arith.constant 112 : index
    %get3A_17 = tpu.vector_load %arg7[%get3A_16] {strides = array<i32>} : memref<128xf32, #tpu.memory_space<vmem>>, vector<16xf32>,
    %add3A_18 = arith.constant 0 : i32
    %add3A_19 = arith.addi %mul3A_2, %add3A_18 : i32
    %dma_start3A = arith.constant 0 : i32
    %dma_start3A_20 = tpu.memref_slice %arg2[%add3A_19, %dma_start3A] : memref<400000x128xf32, #tpu.memory_space<hbm>> -> memref<250x128xf32, #tpu.memory_space<hbm>>
    %dma_start3A_21 = arith.constant 0 : i32
    %dma_start3A_22 = tpu.memref_slice %arg2[%add3A_19, %dma_start3A_21] : memref<400000x128xf32, #tpu.memory_space<hbm>> -> memref<250x128xf32, #tpu.memory_space<hbm>>
    tpu.enqueue_dma source(%dma_start3A_22 : memref<250x128xf32, #tpu.memory_space<hbm>>) target(%arg8 : memref<250x128xf32, #tpu.memory_space<vmem>>) target_semaphore(%arg14 : memref<!tpu.dma_semaphore, #tpu.memory_space<semaphore_mem>>)
    %broadcast_in_dim3A = arith.constant 0.000000e+00 : f32
    %broadcast_in_dim3A_23 = vector.broadcast %broadcast_in_dim3A : f32 to vector<16xf32>
    %broadcast_in_dim3A_24 = arith.constant 0.000000e+00 : f32
    %broadcast_in_dim3A_25 = vector.broadcast %broadcast_in_dim3A_24 : f32 to vector<16xf32>
    %broadcast_in_dim3A_26 = arith.constant 0.000000e+00 : f32
    %broadcast_in_dim3A_27 = vector.broadcast %broadcast_in_dim3A_26 : f32 to vector<16xf32>
    %broadcast_in_dim3A_28 = arith.constant 0.000000e+00 : f32
    %broadcast_in_dim3A_29 = vector.broadcast %broadcast_in_dim3A_28 : f32 to vector<16xf32>
    %broadcast_in_dim3A_30 = arith.constant 0.000000e+00 : f32
    %broadcast_in_dim3A_31 = vector.broadcast %broadcast_in_dim3A_30 : f32 to vector<16xf32>
    %broadcast_in_dim3A_32 = arith.constant 0.000000e+00 : f32
    %broadcast_in_dim3A_33 = vector.broadcast %broadcast_in_dim3A_32 : f32 to vector<16xf32>
    %broadcast_in_dim3A_34 = arith.constant 0.000000e+00 : f32
    %broadcast_in_dim3A_35 = vector.broadcast %broadcast_in_dim3A_34 : f32 to vector<16xf32>
    %broadcast_in_dim3A_36 = arith.constant 0.000000e+00 : f32
    %broadcast_in_dim3A_37 = vector.broadcast %broadcast_in_dim3A_36 : f32 to vector<16xf32>
    %broadcast_in_dim3A_38 = arith.constant 0.000000e+00 : f32
    %broadcast_in_dim3A_39 = vector.broadcast %broadcast_in_dim3A_38 : f32 to vector<16xf32>
    %scan3A = arith.constant -1.000000e+30 : f32
    %scan3A_40 = arith.constant 0 : i32
    %scan3A_41 = arith.constant 25 : i32
    %scan3A_42 = arith.addi %scan3A_40, %scan3A_41 : i32
    %scan3A_43 = arith.constant 1 : i32
    %scan3A_44:10 = scf.for %scan3A_69 = %scan3A_40 to %scan3A_42 step %scan3A_43 iter_args(%scan3A_70 = %broadcast_in_dim3A_23, %scan3A_71 = %broadcast_in_dim3A_25, %scan3A_72 = %broadcast_in_dim3A_27, %scan3A_73 = %broadcast_in_dim3A_29, %scan3A_74 = %broadcast_in_dim3A_31, %scan3A_75 = %broadcast_in_dim3A_33, %scan3A_76 = %broadcast_in_dim3A_35, %scan3A_77 = %broadcast_in_dim3A_37, %scan3A_78 = %scan3A, %scan3A_79 = %broadcast_in_dim3A_39) -> (vector<16xf32>, vector<16xf32>, vector<16xf32>, vector<16xf32>, vector<16xf32>, vector<16xf32>, vector<16xf32>, vector<16xf32>, f32, vector<16xf32>)  : i32 {
      %mul3A_80 = arith.constant 2 : i32
      %mul3A_81 = arith.muli %mul3A_80, %scan3A_69 : i32
      %mul3A_82 = arith.constant 250 : i32
      %mul3A_83 = arith.muli %mul3A_81, %mul3A_82 : i32
      %add3A_84 = arith.addi %mul3A_2, %mul3A_83 : i32
      %dma_wait3A = arith.constant 0 : i32
      %dma_wait3A_85 = tpu.memref_slice %arg2[%add3A_84, %dma_wait3A] : memref<400000x128xf32, #tpu.memory_space<hbm>> -> memref<250x128xf32, #tpu.memory_space<hbm>>
      %dma_wait3A_86 = arith.constant 0 : i32
      %dma_wait3A_87 = tpu.memref_slice %arg2[%add3A_84, %dma_wait3A_86] : memref<400000x128xf32, #tpu.memory_space<hbm>> -> memref<250x128xf32, #tpu.memory_space<hbm>>
      tpu.wait_dma2 semaphore(%arg14 : memref<!tpu.dma_semaphore, #tpu.memory_space<semaphore_mem>>) src(%dma_wait3A_87 : memref<250x128xf32, #tpu.memory_space<hbm>>) dst(%arg8 : memref<250x128xf32, #tpu.memory_space<vmem>>)
      %mul3A_88 = arith.constant 2 : i32
      %mul3A_89 = arith.muli %mul3A_88, %scan3A_69 : i32
      %add3A_90 = arith.constant 1 : i32
      %add3A_91 = arith.addi %mul3A_89, %add3A_90 : i32
      %mul3A_92 = arith.constant 250 : i32
      %mul3A_93 = arith.muli %add3A_91, %mul3A_92 : i32
      %add3A_94 = arith.addi %mul3A_2, %mul3A_93 : i32
      %dma_start3A_95 = arith.constant 0 : i32
      %dma_start3A_96 = tpu.memref_slice %arg2[%add3A_94, %dma_start3A_95] : memref<400000x128xf32, #tpu.memory_space<hbm>> -> memref<250x128xf32, #tpu.memory_space<hbm>>
      %dma_start3A_97 = arith.constant 0 : i32
      %dma_start3A_98 = tpu.memref_slice %arg2[%add3A_94, %dma_start3A_97] : memref<400000x128xf32, #tpu.memory_space<hbm>> -> memref<250x128xf32, #tpu.memory_space<hbm>>
      tpu.enqueue_dma source(%dma_start3A_98 : memref<250x128xf32, #tpu.memory_space<hbm>>) target(%arg9 : memref<250x128xf32, #tpu.memory_space<vmem>>) target_semaphore(%arg15 : memref<!tpu.dma_semaphore, #tpu.memory_space<semaphore_mem>>)
      %scan3A_99 = arith.constant 0 : i32
      %scan3A_100 = arith.constant 250 : i32
      %scan3A_101 = arith.addi %scan3A_99, %scan3A_100 : i32
      %scan3A_102 = arith.constant 2 : i32
      %scan3A_103 = scf.for %scan3A_162 = %scan3A_99 to %scan3A_101 step %scan3A_102 iter_args(%scan3A_163 = %scan3A_78) -> (f32)  : i32 {
        %get3A_164 = arith.index_cast %scan3A_162 : i32 to index
        %get3A_165 = arith.constant 0 : index
        %get3A_166 = tpu.vector_load %arg8[%get3A_164, %get3A_165] {strides = array<i32>} : memref<250x128xf32, #tpu.memory_space<vmem>>, vector<16xf32>,
        %mul3A_167 = arith.mulf %get3A_166, %get3A_3 : vector<16xf32>
        %get3A_168 = arith.index_cast %scan3A_162 : i32 to index
        %get3A_169 = arith.constant 16 : index
        %get3A_170 = tpu.vector_load %arg8[%get3A_168, %get3A_169] {strides = array<i32>} : memref<250x128xf32, #tpu.memory_space<vmem>>, vector<16xf32>,
        %mul3A_171 = arith.mulf %get3A_170, %get3A_5 : vector<16xf32>
        %add3A_172 = arith.addf %mul3A_167, %mul3A_171 : vector<16xf32>
        %get3A_173 = arith.index_cast %scan3A_162 : i32 to index
        %get3A_174 = arith.constant 32 : index
        %get3A_175 = tpu.vector_load %arg8[%get3A_173, %get3A_174] {strides = array<i32>} : memref<250x128xf32, #tpu.memory_space<vmem>>, vector<16xf32>,
        %mul3A_176 = arith.mulf %get3A_175, %get3A_7 : vector<16xf32>
        %add3A_177 = arith.addf %add3A_172, %mul3A_176 : vector<16xf32>
        %get3A_178 = arith.index_cast %scan3A_162 : i32 to index
        %get3A_179 = arith.constant 48 : index
        %get3A_180 = tpu.vector_load %arg8[%get3A_178, %get3A_179] {strides = array<i32>} : memref<250x128xf32, #tpu.memory_space<vmem>>, vector<16xf32>,
        %mul3A_181 = arith.mulf %get3A_180, %get3A_9 : vector<16xf32>
        %add3A_182 = arith.addf %add3A_177, %mul3A_181 : vector<16xf32>
        %get3A_183 = arith.index_cast %scan3A_162 : i32 to index
        %get3A_184 = arith.constant 64 : index
        %get3A_185 = tpu.vector_load %arg8[%get3A_183, %get3A_184] {strides = array<i32>} : memref<250x128xf32, #tpu.memory_space<vmem>>, vector<16xf32>,
        %mul3A_186 = arith.mulf %get3A_185, %get3A_11 : vector<16xf32>
        %add3A_187 = arith.addf %add3A_182, %mul3A_186 : vector<16xf32>
        %get3A_188 = arith.index_cast %scan3A_162 : i32 to index
        %get3A_189 = arith.constant 80 : index
        %get3A_190 = tpu.vector_load %arg8[%get3A_188, %get3A_189] {strides = array<i32>} : memref<250x128xf32, #tpu.memory_space<vmem>>, vector<16xf32>,
        %mul3A_191 = arith.mulf %get3A_190, %get3A_13 : vector<16xf32>
        %add3A_192 = arith.addf %add3A_187, %mul3A_191 : vector<16xf32>
        %get3A_193 = arith.index_cast %scan3A_162 : i32 to index
        %get3A_194 = arith.constant 96 : index
        %get3A_195 = tpu.vector_load %arg8[%get3A_193, %get3A_194] {strides = array<i32>} : memref<250x128xf32, #tpu.memory_space<vmem>>, vector<16xf32>,
        %mul3A_196 = arith.mulf %get3A_195, %get3A_15 : vector<16xf32>
        %add3A_197 = arith.addf %add3A_192, %mul3A_196 : vector<16xf32>
        %get3A_198 = arith.index_cast %scan3A_162 : i32 to index
        %get3A_199 = arith.constant 112 : index
        %get3A_200 = tpu.vector_load %arg8[%get3A_198, %get3A_199] {strides = array<i32>} : memref<250x128xf32, #tpu.memory_space<vmem>>, vector<16xf32>,
        %mul3A_201 = arith.mulf %get3A_200, %get3A_17 : vector<16xf32>
        %add3A_202 = arith.addf %add3A_197, %mul3A_201 : vector<16xf32>
        %reduce_sum3A = arith.constant true
        %reduce_sum3A_203 = vector.broadcast %reduce_sum3A : i1 to vector<16xi1>
        %reduce_sum3A_204 = tpu.scan <sum>, %add3A_202 masked %reduce_sum3A_203 : vector<16xf32>, vector<16xi1> -> vector<16xf32>
        %reduce_sum3A_205 = vector.extract %reduce_sum3A_204[15] : f32 from vector<16xf32>
        %mul3A_206 = arith.constant 2.000000e-01 : f32
        %mul3A_207 = arith.mulf %mul3A_206, %reduce_sum3A_205 : f32
        %max3A = arith.maximumf %reduce_sum3A_205, %mul3A_207 : f32
        %swap3A_208 = arith.index_cast %scan3A_162 : i32 to index
        %swap3A_209 = memref.load %arg10[%swap3A_208] : memref<250xf32, #tpu.memory_space<smem>>
        memref.store %max3A, %arg10[%swap3A_208] : memref<250xf32, #tpu.memory_space<smem>>
        %max3A_210 = arith.maximumf %scan3A_163, %max3A : f32
        %scan3A_211 = arith.constant 1 : i32
        %scan3A_212 = arith.addi %scan3A_162, %scan3A_211 : i32
        %get3A_213 = arith.index_cast %scan3A_212 : i32 to index
        %get3A_214 = arith.constant 0 : index
        %get3A_215 = tpu.vector_load %arg8[%get3A_213, %get3A_214] {strides = array<i32>} : memref<250x128xf32, #tpu.memory_space<vmem>>, vector<16xf32>,
        %mul3A_216 = arith.mulf %get3A_215, %get3A_3 : vector<16xf32>
        %get3A_217 = arith.index_cast %scan3A_212 : i32 to index
        %get3A_218 = arith.constant 16 : index
        %get3A_219 = tpu.vector_load %arg8[%get3A_217, %get3A_218] {strides = array<i32>} : memref<250x128xf32, #tpu.memory_space<vmem>>, vector<16xf32>,
        %mul3A_220 = arith.mulf %get3A_219, %get3A_5 : vector<16xf32>
        %add3A_221 = arith.addf %mul3A_216, %mul3A_220 : vector<16xf32>
        %get3A_222 = arith.index_cast %scan3A_212 : i32 to index
        %get3A_223 = arith.constant 32 : index
        %get3A_224 = tpu.vector_load %arg8[%get3A_222, %get3A_223] {strides = array<i32>} : memref<250x128xf32, #tpu.memory_space<vmem>>, vector<16xf32>,
        %mul3A_225 = arith.mulf %get3A_224, %get3A_7 : vector<16xf32>
        %add3A_226 = arith.addf %add3A_221, %mul3A_225 : vector<16xf32>
        %get3A_227 = arith.index_cast %scan3A_212 : i32 to index
        %get3A_228 = arith.constant 48 : index
        %get3A_229 = tpu.vector_load %arg8[%get3A_227, %get3A_228] {strides = array<i32>} : memref<250x128xf32, #tpu.memory_space<vmem>>, vector<16xf32>,
        %mul3A_230 = arith.mulf %get3A_229, %get3A_9 : vector<16xf32>
        %add3A_231 = arith.addf %add3A_226, %mul3A_230 : vector<16xf32>
        %get3A_232 = arith.index_cast %scan3A_212 : i32 to index
        %get3A_233 = arith.constant 64 : index
        %get3A_234 = tpu.vector_load %arg8[%get3A_232, %get3A_233] {strides = array<i32>} : memref<250x128xf32, #tpu.memory_space<vmem>>, vector<16xf32>,
        %mul3A_235 = arith.mulf %get3A_234, %get3A_11 : vector<16xf32>
        %add3A_236 = arith.addf %add3A_231, %mul3A_235 : vector<16xf32>
        %get3A_237 = arith.index_cast %scan3A_212 : i32 to index
        %get3A_238 = arith.constant 80 : index
        %get3A_239 = tpu.vector_load %arg8[%get3A_237, %get3A_238] {strides = array<i32>} : memref<250x128xf32, #tpu.memory_space<vmem>>, vector<16xf32>,
        %mul3A_240 = arith.mulf %get3A_239, %get3A_13 : vector<16xf32>
        %add3A_241 = arith.addf %add3A_236, %mul3A_240 : vector<16xf32>
        %get3A_242 = arith.index_cast %scan3A_212 : i32 to index
        %get3A_243 = arith.constant 96 : index
        %get3A_244 = tpu.vector_load %arg8[%get3A_242, %get3A_243] {strides = array<i32>} : memref<250x128xf32, #tpu.memory_space<vmem>>, vector<16xf32>,
        %mul3A_245 = arith.mulf %get3A_244, %get3A_15 : vector<16xf32>
        %add3A_246 = arith.addf %add3A_241, %mul3A_245 : vector<16xf32>
        %get3A_247 = arith.index_cast %scan3A_212 : i32 to index
        %get3A_248 = arith.constant 112 : index
        %get3A_249 = tpu.vector_load %arg8[%get3A_247, %get3A_248] {strides = array<i32>} : memref<250x128xf32, #tpu.memory_space<vmem>>, vector<16xf32>,
        %mul3A_250 = arith.mulf %get3A_249, %get3A_17 : vector<16xf32>
        %add3A_251 = arith.addf %add3A_246, %mul3A_250 : vector<16xf32>
        %reduce_sum3A_252 = arith.constant true
        %reduce_sum3A_253 = vector.broadcast %reduce_sum3A_252 : i1 to vector<16xi1>
        %reduce_sum3A_254 = tpu.scan <sum>, %add3A_251 masked %reduce_sum3A_253 : vector<16xf32>, vector<16xi1> -> vector<16xf32>
        %reduce_sum3A_255 = vector.extract %reduce_sum3A_254[15] : f32 from vector<16xf32>
        %mul3A_256 = arith.constant 2.000000e-01 : f32
        %mul3A_257 = arith.mulf %mul3A_256, %reduce_sum3A_255 : f32
        %max3A_258 = arith.maximumf %reduce_sum3A_255, %mul3A_257 : f32
        %swap3A_259 = arith.index_cast %scan3A_212 : i32 to index
        %swap3A_260 = memref.load %arg10[%swap3A_259] : memref<250xf32, #tpu.memory_space<smem>>
        memref.store %max3A_258, %arg10[%swap3A_259] : memref<250xf32, #tpu.memory_space<smem>>
        %max3A_261 = arith.maximumf %max3A_210, %max3A_258 : f32
        scf.yield %max3A_261 : f32
      }
      %scan3A_104 = arith.constant 250 : i32
      %sub3A = arith.subf %scan3A_78, %scan3A_103 : f32
      %broadcast_in_dim3A_105 = vector.broadcast %sub3A : f32 to vector<16xf32>
      %exp3A = math.exp %broadcast_in_dim3A_105 : vector<16xf32>
      %mul3A_106 = arith.mulf %scan3A_79, %exp3A : vector<16xf32>
      %mul3A_107 = arith.mulf %scan3A_70, %exp3A : vector<16xf32>
      %mul3A_108 = arith.mulf %scan3A_71, %exp3A : vector<16xf32>
      %mul3A_109 = arith.mulf %scan3A_72, %exp3A : vector<16xf32>
      %mul3A_110 = arith.mulf %scan3A_73, %exp3A : vector<16xf32>
      %mul3A_111 = arith.mulf %scan3A_74, %exp3A : vector<16xf32>
      %mul3A_112 = arith.mulf %scan3A_75, %exp3A : vector<16xf32>
      %mul3A_113 = arith.mulf %scan3A_76, %exp3A : vector<16xf32>
      %mul3A_114 = arith.mulf %scan3A_77, %exp3A : vector<16xf32>
      %scan3A_115 = arith.constant 0 : i32
      %scan3A_116 = arith.constant 250 : i32
      %scan3A_117 = arith.addi %scan3A_115, %scan3A_116 : i32
      %scan3A_118 = arith.constant 2 : i32
      %scan3A_119:9 = scf.for %scan3A_162 = %scan3A_115 to %scan3A_117 step %scan3A_118 iter_args(%scan3A_163 = %mul3A_107, %scan3A_164 = %mul3A_108, %scan3A_165 = %mul3A_109, %scan3A_166 = %mul3A_110, %scan3A_167 = %mul3A_111, %scan3A_168 = %mul3A_112, %scan3A_169 = %mul3A_113, %scan3A_170 = %mul3A_114, %scan3A_171 = %mul3A_106) -> (vector<16xf32>, vector<16xf32>, vector<16xf32>, vector<16xf32>, vector<16xf32>, vector<16xf32>, vector<16xf32>, vector<16xf32>, vector<16xf32>)  : i32 {
        %get3A_172 = arith.index_cast %scan3A_162 : i32 to index
        %get3A_173 = memref.load %arg10[%get3A_172] : memref<250xf32, #tpu.memory_space<smem>>
        %sub3A_174 = arith.subf %get3A_173, %scan3A_103 : f32
        %broadcast_in_dim3A_175 = vector.broadcast %sub3A_174 : f32 to vector<16xf32>
        %exp3A_176 = math.exp %broadcast_in_dim3A_175 : vector<16xf32>
        %get3A_177 = arith.index_cast %scan3A_162 : i32 to index
        %get3A_178 = arith.constant 0 : index
        %get3A_179 = tpu.vector_load %arg8[%get3A_177, %get3A_178] {strides = array<i32>} : memref<250x128xf32, #tpu.memory_space<vmem>>, vector<16xf32>,
        %mul3A_180 = arith.mulf %exp3A_176, %get3A_179 : vector<16xf32>
        %add3A_181 = arith.addf %scan3A_163, %mul3A_180 : vector<16xf32>
        %get3A_182 = arith.index_cast %scan3A_162 : i32 to index
        %get3A_183 = arith.constant 16 : index
        %get3A_184 = tpu.vector_load %arg8[%get3A_182, %get3A_183] {strides = array<i32>} : memref<250x128xf32, #tpu.memory_space<vmem>>, vector<16xf32>,
        %mul3A_185 = arith.mulf %exp3A_176, %get3A_184 : vector<16xf32>
        %add3A_186 = arith.addf %scan3A_164, %mul3A_185 : vector<16xf32>
        %get3A_187 = arith.index_cast %scan3A_162 : i32 to index
        %get3A_188 = arith.constant 32 : index
        %get3A_189 = tpu.vector_load %arg8[%get3A_187, %get3A_188] {strides = array<i32>} : memref<250x128xf32, #tpu.memory_space<vmem>>, vector<16xf32>,
        %mul3A_190 = arith.mulf %exp3A_176, %get3A_189 : vector<16xf32>
        %add3A_191 = arith.addf %scan3A_165, %mul3A_190 : vector<16xf32>
        %get3A_192 = arith.index_cast %scan3A_162 : i32 to index
        %get3A_193 = arith.constant 48 : index
        %get3A_194 = tpu.vector_load %arg8[%get3A_192, %get3A_193] {strides = array<i32>} : memref<250x128xf32, #tpu.memory_space<vmem>>, vector<16xf32>,
        %mul3A_195 = arith.mulf %exp3A_176, %get3A_194 : vector<16xf32>
        %add3A_196 = arith.addf %scan3A_166, %mul3A_195 : vector<16xf32>
        %get3A_197 = arith.index_cast %scan3A_162 : i32 to index
        %get3A_198 = arith.constant 64 : index
        %get3A_199 = tpu.vector_load %arg8[%get3A_197, %get3A_198] {strides = array<i32>} : memref<250x128xf32, #tpu.memory_space<vmem>>, vector<16xf32>,
        %mul3A_200 = arith.mulf %exp3A_176, %get3A_199 : vector<16xf32>
        %add3A_201 = arith.addf %scan3A_167, %mul3A_200 : vector<16xf32>
        %get3A_202 = arith.index_cast %scan3A_162 : i32 to index
        %get3A_203 = arith.constant 80 : index
        %get3A_204 = tpu.vector_load %arg8[%get3A_202, %get3A_203] {strides = array<i32>} : memref<250x128xf32, #tpu.memory_space<vmem>>, vector<16xf32>,
        %mul3A_205 = arith.mulf %exp3A_176, %get3A_204 : vector<16xf32>
        %add3A_206 = arith.addf %scan3A_168, %mul3A_205 : vector<16xf32>
        %get3A_207 = arith.index_cast %scan3A_162 : i32 to index
        %get3A_208 = arith.constant 96 : index
        %get3A_209 = tpu.vector_load %arg8[%get3A_207, %get3A_208] {strides = array<i32>} : memref<250x128xf32, #tpu.memory_space<vmem>>, vector<16xf32>,
        %mul3A_210 = arith.mulf %exp3A_176, %get3A_209 : vector<16xf32>
        %add3A_211 = arith.addf %scan3A_169, %mul3A_210 : vector<16xf32>
        %get3A_212 = arith.index_cast %scan3A_162 : i32 to index
        %get3A_213 = arith.constant 112 : index
        %get3A_214 = tpu.vector_load %arg8[%get3A_212, %get3A_213] {strides = array<i32>} : memref<250x128xf32, #tpu.memory_space<vmem>>, vector<16xf32>,
        %mul3A_215 = arith.mulf %exp3A_176, %get3A_214 : vector<16xf32>
        %add3A_216 = arith.addf %scan3A_170, %mul3A_215 : vector<16xf32>
        %add3A_217 = arith.addf %scan3A_171, %exp3A_176 : vector<16xf32>
        %scan3A_218 = arith.constant 1 : i32
        %scan3A_219 = arith.addi %scan3A_162, %scan3A_218 : i32
        %get3A_220 = arith.index_cast %scan3A_219 : i32 to index
        %get3A_221 = memref.load %arg10[%get3A_220] : memref<250xf32, #tpu.memory_space<smem>>
        %sub3A_222 = arith.subf %get3A_221, %scan3A_103 : f32
        %broadcast_in_dim3A_223 = vector.broadcast %sub3A_222 : f32 to vector<16xf32>
        %exp3A_224 = math.exp %broadcast_in_dim3A_223 : vector<16xf32>
        %get3A_225 = arith.index_cast %scan3A_219 : i32 to index
        %get3A_226 = arith.constant 0 : index
        %get3A_227 = tpu.vector_load %arg8[%get3A_225, %get3A_226] {strides = array<i32>} : memref<250x128xf32, #tpu.memory_space<vmem>>, vector<16xf32>,
        %mul3A_228 = arith.mulf %exp3A_224, %get3A_227 : vector<16xf32>
        %add3A_229 = arith.addf %add3A_181, %mul3A_228 : vector<16xf32>
        %get3A_230 = arith.index_cast %scan3A_219 : i32 to index
        %get3A_231 = arith.constant 16 : index
        %get3A_232 = tpu.vector_load %arg8[%get3A_230, %get3A_231] {strides = array<i32>} : memref<250x128xf32, #tpu.memory_space<vmem>>, vector<16xf32>,
        %mul3A_233 = arith.mulf %exp3A_224, %get3A_232 : vector<16xf32>
        %add3A_234 = arith.addf %add3A_186, %mul3A_233 : vector<16xf32>
        %get3A_235 = arith.index_cast %scan3A_219 : i32 to index
        %get3A_236 = arith.constant 32 : index
        %get3A_237 = tpu.vector_load %arg8[%get3A_235, %get3A_236] {strides = array<i32>} : memref<250x128xf32, #tpu.memory_space<vmem>>, vector<16xf32>,
        %mul3A_238 = arith.mulf %exp3A_224, %get3A_237 : vector<16xf32>
        %add3A_239 = arith.addf %add3A_191, %mul3A_238 : vector<16xf32>
        %get3A_240 = arith.index_cast %scan3A_219 : i32 to index
        %get3A_241 = arith.constant 48 : index
        %get3A_242 = tpu.vector_load %arg8[%get3A_240, %get3A_241] {strides = array<i32>} : memref<250x128xf32, #tpu.memory_space<vmem>>, vector<16xf32>,
        %mul3A_243 = arith.mulf %exp3A_224, %get3A_242 : vector<16xf32>
        %add3A_244 = arith.addf %add3A_196, %mul3A_243 : vector<16xf32>
        %get3A_245 = arith.index_cast %scan3A_219 : i32 to index
        %get3A_246 = arith.constant 64 : index
        %get3A_247 = tpu.vector_load %arg8[%get3A_245, %get3A_246] {strides = array<i32>} : memref<250x128xf32, #tpu.memory_space<vmem>>, vector<16xf32>,
        %mul3A_248 = arith.mulf %exp3A_224, %get3A_247 : vector<16xf32>
        %add3A_249 = arith.addf %add3A_201, %mul3A_248 : vector<16xf32>
        %get3A_250 = arith.index_cast %scan3A_219 : i32 to index
        %get3A_251 = arith.constant 80 : index
        %get3A_252 = tpu.vector_load %arg8[%get3A_250, %get3A_251] {strides = array<i32>} : memref<250x128xf32, #tpu.memory_space<vmem>>, vector<16xf32>,
        %mul3A_253 = arith.mulf %exp3A_224, %get3A_252 : vector<16xf32>
        %add3A_254 = arith.addf %add3A_206, %mul3A_253 : vector<16xf32>
        %get3A_255 = arith.index_cast %scan3A_219 : i32 to index
        %get3A_256 = arith.constant 96 : index
        %get3A_257 = tpu.vector_load %arg8[%get3A_255, %get3A_256] {strides = array<i32>} : memref<250x128xf32, #tpu.memory_space<vmem>>, vector<16xf32>,
        %mul3A_258 = arith.mulf %exp3A_224, %get3A_257 : vector<16xf32>
        %add3A_259 = arith.addf %add3A_211, %mul3A_258 : vector<16xf32>
        %get3A_260 = arith.index_cast %scan3A_219 : i32 to index
        %get3A_261 = arith.constant 112 : index
        %get3A_262 = tpu.vector_load %arg8[%get3A_260, %get3A_261] {strides = array<i32>} : memref<250x128xf32, #tpu.memory_space<vmem>>, vector<16xf32>,
        %mul3A_263 = arith.mulf %exp3A_224, %get3A_262 : vector<16xf32>
        %add3A_264 = arith.addf %add3A_216, %mul3A_263 : vector<16xf32>
        %add3A_265 = arith.addf %add3A_217, %exp3A_224 : vector<16xf32>
        scf.yield %add3A_229, %add3A_234, %add3A_239, %add3A_244, %add3A_249, %add3A_254, %add3A_259, %add3A_264, %add3A_265 : vector<16xf32>, vector<16xf32>, vector<16xf32>, vector<16xf32>, vector<16xf32>, vector<16xf32>, vector<16xf32>, vector<16xf32>, vector<16xf32>
      }
      %scan3A_120 = arith.constant 250 : i32
      %mul3A_121 = arith.constant 2 : i32
      %mul3A_122 = arith.muli %mul3A_121, %scan3A_69 : i32
      %add3A_123 = arith.constant 1 : i32
      %add3A_124 = arith.addi %mul3A_122, %add3A_123 : i32
      %mul3A_125 = arith.constant 250 : i32
      %mul3A_126 = arith.muli %add3A_124, %mul3A_125 : i32
      %add3A_127 = arith.addi %mul3A_2, %mul3A_126 : i32
      %dma_wait3A_128 = arith.constant 0 : i32
      %dma_wait3A_129 = tpu.memref_slice %arg2[%add3A_127, %dma_wait3A_128] : memref<400000x128xf32, #tpu.memory_space<hbm>> -> memref<250x128xf32, #tpu.memory_space<hbm>>
      %dma_wait3A_130 = arith.constant 0 : i32
      %dma_wait3A_131 = tpu.memref_slice %arg2[%add3A_127, %dma_wait3A_130] : memref<400000x128xf32, #tpu.memory_space<hbm>> -> memref<250x128xf32, #tpu.memory_space<hbm>>
      tpu.wait_dma2 semaphore(%arg15 : memref<!tpu.dma_semaphore, #tpu.memory_space<semaphore_mem>>) src(%dma_wait3A_131 : memref<250x128xf32, #tpu.memory_space<hbm>>) dst(%arg9 : memref<250x128xf32, #tpu.memory_space<vmem>>)
      %mul3A_132 = arith.constant 2 : i32
      %mul3A_133 = arith.muli %mul3A_132, %scan3A_69 : i32
      %add3A_134 = arith.constant 2 : i32
      %add3A_135 = arith.addi %mul3A_133, %add3A_134 : i32
      %lt3A = arith.constant 50 : i32
      %lt3A_136 = arith.cmpi slt, %add3A_135, %lt3A : i32
      %convert_element_type3A = arith.extui %lt3A_136 : i1 to i32
      %cond3A = arith.constant 0 : i32
      %cond3A_137 = arith.cmpi ne, %convert_element_type3A, %cond3A : i32
      scf.if %cond3A_137 {
        %mul3A_162 = arith.constant 2 : i32
        %mul3A_163 = arith.muli %mul3A_162, %scan3A_69 : i32
        %add3A_164 = arith.constant 2 : i32
        %add3A_165 = arith.addi %mul3A_163, %add3A_164 : i32
        %mul3A_166 = arith.constant 250 : i32
        %mul3A_167 = arith.muli %add3A_165, %mul3A_166 : i32
        %add3A_168 = arith.addi %mul3A_2, %mul3A_167 : i32
        %dma_start3A_169 = arith.constant 0 : i32
        %dma_start3A_170 = tpu.memref_slice %arg2[%add3A_168, %dma_start3A_169] : memref<400000x128xf32, #tpu.memory_space<hbm>> -> memref<250x128xf32, #tpu.memory_space<hbm>>
        %dma_start3A_171 = arith.constant 0 : i32
        %dma_start3A_172 = tpu.memref_slice %arg2[%add3A_168, %dma_start3A_171] : memref<400000x128xf32, #tpu.memory_space<hbm>> -> memref<250x128xf32, #tpu.memory_space<hbm>>
        tpu.enqueue_dma source(%dma_start3A_172 : memref<250x128xf32, #tpu.memory_space<hbm>>) target(%arg8 : memref<250x128xf32, #tpu.memory_space<vmem>>) target_semaphore(%arg14 : memref<!tpu.dma_semaphore, #tpu.memory_space<semaphore_mem>>)
      } else {
      }
      %scan3A_138 = arith.constant 0 : i32
      %scan3A_139 = arith.constant 250 : i32
      %scan3A_140 = arith.addi %scan3A_138, %scan3A_139 : i32
      %scan3A_141 = arith.constant 2 : i32
      %scan3A_142 = scf.for %scan3A_162 = %scan3A_138 to %scan3A_140 step %scan3A_141 iter_args(%scan3A_163 = %scan3A_103) -> (f32)  : i32 {
        %get3A_164 = arith.index_cast %scan3A_162 : i32 to index
        %get3A_165 = arith.constant 0 : index
        %get3A_166 = tpu.vector_load %arg9[%get3A_164, %get3A_165] {strides = array<i32>} : memref<250x128xf32, #tpu.memory_space<vmem>>, vector<16xf32>,
        %mul3A_167 = arith.mulf %get3A_166, %get3A_3 : vector<16xf32>
        %get3A_168 = arith.index_cast %scan3A_162 : i32 to index
        %get3A_169 = arith.constant 16 : index
        %get3A_170 = tpu.vector_load %arg9[%get3A_168, %get3A_169] {strides = array<i32>} : memref<250x128xf32, #tpu.memory_space<vmem>>, vector<16xf32>,
        %mul3A_171 = arith.mulf %get3A_170, %get3A_5 : vector<16xf32>
        %add3A_172 = arith.addf %mul3A_167, %mul3A_171 : vector<16xf32>
        %get3A_173 = arith.index_cast %scan3A_162 : i32 to index
        %get3A_174 = arith.constant 32 : index
        %get3A_175 = tpu.vector_load %arg9[%get3A_173, %get3A_174] {strides = array<i32>} : memref<250x128xf32, #tpu.memory_space<vmem>>, vector<16xf32>,
        %mul3A_176 = arith.mulf %get3A_175, %get3A_7 : vector<16xf32>
        %add3A_177 = arith.addf %add3A_172, %mul3A_176 : vector<16xf32>
        %get3A_178 = arith.index_cast %scan3A_162 : i32 to index
        %get3A_179 = arith.constant 48 : index
        %get3A_180 = tpu.vector_load %arg9[%get3A_178, %get3A_179] {strides = array<i32>} : memref<250x128xf32, #tpu.memory_space<vmem>>, vector<16xf32>,
        %mul3A_181 = arith.mulf %get3A_180, %get3A_9 : vector<16xf32>
        %add3A_182 = arith.addf %add3A_177, %mul3A_181 : vector<16xf32>
        %get3A_183 = arith.index_cast %scan3A_162 : i32 to index
        %get3A_184 = arith.constant 64 : index
        %get3A_185 = tpu.vector_load %arg9[%get3A_183, %get3A_184] {strides = array<i32>} : memref<250x128xf32, #tpu.memory_space<vmem>>, vector<16xf32>,
        %mul3A_186 = arith.mulf %get3A_185, %get3A_11 : vector<16xf32>
        %add3A_187 = arith.addf %add3A_182, %mul3A_186 : vector<16xf32>
        %get3A_188 = arith.index_cast %scan3A_162 : i32 to index
        %get3A_189 = arith.constant 80 : index
        %get3A_190 = tpu.vector_load %arg9[%get3A_188, %get3A_189] {strides = array<i32>} : memref<250x128xf32, #tpu.memory_space<vmem>>, vector<16xf32>,
        %mul3A_191 = arith.mulf %get3A_190, %get3A_13 : vector<16xf32>
        %add3A_192 = arith.addf %add3A_187, %mul3A_191 : vector<16xf32>
        %get3A_193 = arith.index_cast %scan3A_162 : i32 to index
        %get3A_194 = arith.constant 96 : index
        %get3A_195 = tpu.vector_load %arg9[%get3A_193, %get3A_194] {strides = array<i32>} : memref<250x128xf32, #tpu.memory_space<vmem>>, vector<16xf32>,
        %mul3A_196 = arith.mulf %get3A_195, %get3A_15 : vector<16xf32>
        %add3A_197 = arith.addf %add3A_192, %mul3A_196 : vector<16xf32>
        %get3A_198 = arith.index_cast %scan3A_162 : i32 to index
        %get3A_199 = arith.constant 112 : index
        %get3A_200 = tpu.vector_load %arg9[%get3A_198, %get3A_199] {strides = array<i32>} : memref<250x128xf32, #tpu.memory_space<vmem>>, vector<16xf32>,
        %mul3A_201 = arith.mulf %get3A_200, %get3A_17 : vector<16xf32>
        %add3A_202 = arith.addf %add3A_197, %mul3A_201 : vector<16xf32>
        %reduce_sum3A = arith.constant true
        %reduce_sum3A_203 = vector.broadcast %reduce_sum3A : i1 to vector<16xi1>
        %reduce_sum3A_204 = tpu.scan <sum>, %add3A_202 masked %reduce_sum3A_203 : vector<16xf32>, vector<16xi1> -> vector<16xf32>
        %reduce_sum3A_205 = vector.extract %reduce_sum3A_204[15] : f32 from vector<16xf32>
        %mul3A_206 = arith.constant 2.000000e-01 : f32
        %mul3A_207 = arith.mulf %mul3A_206, %reduce_sum3A_205 : f32
        %max3A = arith.maximumf %reduce_sum3A_205, %mul3A_207 : f32
        %swap3A_208 = arith.index_cast %scan3A_162 : i32 to index
        %swap3A_209 = memref.load %arg10[%swap3A_208] : memref<250xf32, #tpu.memory_space<smem>>
        memref.store %max3A, %arg10[%swap3A_208] : memref<250xf32, #tpu.memory_space<smem>>
        %max3A_210 = arith.maximumf %scan3A_163, %max3A : f32
        %scan3A_211 = arith.constant 1 : i32
        %scan3A_212 = arith.addi %scan3A_162, %scan3A_211 : i32
        %get3A_213 = arith.index_cast %scan3A_212 : i32 to index
        %get3A_214 = arith.constant 0 : index
        %get3A_215 = tpu.vector_load %arg9[%get3A_213, %get3A_214] {strides = array<i32>} : memref<250x128xf32, #tpu.memory_space<vmem>>, vector<16xf32>,
        %mul3A_216 = arith.mulf %get3A_215, %get3A_3 : vector<16xf32>
        %get3A_217 = arith.index_cast %scan3A_212 : i32 to index
        %get3A_218 = arith.constant 16 : index
        %get3A_219 = tpu.vector_load %arg9[%get3A_217, %get3A_218] {strides = array<i32>} : memref<250x128xf32, #tpu.memory_space<vmem>>, vector<16xf32>,
        %mul3A_220 = arith.mulf %get3A_219, %get3A_5 : vector<16xf32>
        %add3A_221 = arith.addf %mul3A_216, %mul3A_220 : vector<16xf32>
        %get3A_222 = arith.index_cast %scan3A_212 : i32 to index
        %get3A_223 = arith.constant 32 : index
        %get3A_224 = tpu.vector_load %arg9[%get3A_222, %get3A_223] {strides = array<i32>} : memref<250x128xf32, #tpu.memory_space<vmem>>, vector<16xf32>,
        %mul3A_225 = arith.mulf %get3A_224, %get3A_7 : vector<16xf32>
        %add3A_226 = arith.addf %add3A_221, %mul3A_225 : vector<16xf32>
        %get3A_227 = arith.index_cast %scan3A_212 : i32 to index
        %get3A_228 = arith.constant 48 : index
        %get3A_229 = tpu.vector_load %arg9[%get3A_227, %get3A_228] {strides = array<i32>} : memref<250x128xf32, #tpu.memory_space<vmem>>, vector<16xf32>,
        %mul3A_230 = arith.mulf %get3A_229, %get3A_9 : vector<16xf32>
        %add3A_231 = arith.addf %add3A_226, %mul3A_230 : vector<16xf32>
        %get3A_232 = arith.index_cast %scan3A_212 : i32 to index
        %get3A_233 = arith.constant 64 : index
        %get3A_234 = tpu.vector_load %arg9[%get3A_232, %get3A_233] {strides = array<i32>} : memref<250x128xf32, #tpu.memory_space<vmem>>, vector<16xf32>,
        %mul3A_235 = arith.mulf %get3A_234, %get3A_11 : vector<16xf32>
        %add3A_236 = arith.addf %add3A_231, %mul3A_235 : vector<16xf32>
        %get3A_237 = arith.index_cast %scan3A_212 : i32 to index
        %get3A_238 = arith.constant 80 : index
        %get3A_239 = tpu.vector_load %arg9[%get3A_237, %get3A_238] {strides = array<i32>} : memref<250x128xf32, #tpu.memory_space<vmem>>, vector<16xf32>,
        %mul3A_240 = arith.mulf %get3A_239, %get3A_13 : vector<16xf32>
        %add3A_241 = arith.addf %add3A_236, %mul3A_240 : vector<16xf32>
        %get3A_242 = arith.index_cast %scan3A_212 : i32 to index
        %get3A_243 = arith.constant 96 : index
        %get3A_244 = tpu.vector_load %arg9[%get3A_242, %get3A_243] {strides = array<i32>} : memref<250x128xf32, #tpu.memory_space<vmem>>, vector<16xf32>,
        %mul3A_245 = arith.mulf %get3A_244, %get3A_15 : vector<16xf32>
        %add3A_246 = arith.addf %add3A_241, %mul3A_245 : vector<16xf32>
        %get3A_247 = arith.index_cast %scan3A_212 : i32 to index
        %get3A_248 = arith.constant 112 : index
        %get3A_249 = tpu.vector_load %arg9[%get3A_247, %get3A_248] {strides = array<i32>} : memref<250x128xf32, #tpu.memory_space<vmem>>, vector<16xf32>,
        %mul3A_250 = arith.mulf %get3A_249, %get3A_17 : vector<16xf32>
        %add3A_251 = arith.addf %add3A_246, %mul3A_250 : vector<16xf32>
        %reduce_sum3A_252 = arith.constant true
        %reduce_sum3A_253 = vector.broadcast %reduce_sum3A_252 : i1 to vector<16xi1>
        %reduce_sum3A_254 = tpu.scan <sum>, %add3A_251 masked %reduce_sum3A_253 : vector<16xf32>, vector<16xi1> -> vector<16xf32>
        %reduce_sum3A_255 = vector.extract %reduce_sum3A_254[15] : f32 from vector<16xf32>
        %mul3A_256 = arith.constant 2.000000e-01 : f32
        %mul3A_257 = arith.mulf %mul3A_256, %reduce_sum3A_255 : f32
        %max3A_258 = arith.maximumf %reduce_sum3A_255, %mul3A_257 : f32
        %swap3A_259 = arith.index_cast %scan3A_212 : i32 to index
        %swap3A_260 = memref.load %arg10[%swap3A_259] : memref<250xf32, #tpu.memory_space<smem>>
        memref.store %max3A_258, %arg10[%swap3A_259] : memref<250xf32, #tpu.memory_space<smem>>
        %max3A_261 = arith.maximumf %max3A_210, %max3A_258 : f32
        scf.yield %max3A_261 : f32
      }
      %scan3A_143 = arith.constant 250 : i32
      %sub3A_144 = arith.subf %scan3A_103, %scan3A_142 : f32
      %broadcast_in_dim3A_145 = vector.broadcast %sub3A_144 : f32 to vector<16xf32>
      %exp3A_146 = math.exp %broadcast_in_dim3A_145 : vector<16xf32>
      %mul3A_147 = arith.mulf %scan3A_119#8, %exp3A_146 : vector<16xf32>
      %mul3A_148 = arith.mulf %scan3A_119#0, %exp3A_146 : vector<16xf32>
      %mul3A_149 = arith.mulf %scan3A_119#1, %exp3A_146 : vector<16xf32>
      %mul3A_150 = arith.mulf %scan3A_119#2, %exp3A_146 : vector<16xf32>
      %mul3A_151 = arith.mulf %scan3A_119#3, %exp3A_146 : vector<16xf32>
      %mul3A_152 = arith.mulf %scan3A_119#4, %exp3A_146 : vector<16xf32>
      %mul3A_153 = arith.mulf %scan3A_119#5, %exp3A_146 : vector<16xf32>
      %mul3A_154 = arith.mulf %scan3A_119#6, %exp3A_146 : vector<16xf32>
      %mul3A_155 = arith.mulf %scan3A_119#7, %exp3A_146 : vector<16xf32>
      %scan3A_156 = arith.constant 0 : i32
      %scan3A_157 = arith.constant 250 : i32
      %scan3A_158 = arith.addi %scan3A_156, %scan3A_157 : i32
      %scan3A_159 = arith.constant 2 : i32
      %scan3A_160:9 = scf.for %scan3A_162 = %scan3A_156 to %scan3A_158 step %scan3A_159 iter_args(%scan3A_163 = %mul3A_148, %scan3A_164 = %mul3A_149, %scan3A_165 = %mul3A_150, %scan3A_166 = %mul3A_151, %scan3A_167 = %mul3A_152, %scan3A_168 = %mul3A_153, %scan3A_169 = %mul3A_154, %scan3A_170 = %mul3A_155, %scan3A_171 = %mul3A_147) -> (vector<16xf32>, vector<16xf32>, vector<16xf32>, vector<16xf32>, vector<16xf32>, vector<16xf32>, vector<16xf32>, vector<16xf32>, vector<16xf32>)  : i32 {
        %get3A_172 = arith.index_cast %scan3A_162 : i32 to index
        %get3A_173 = memref.load %arg10[%get3A_172] : memref<250xf32, #tpu.memory_space<smem>>
        %sub3A_174 = arith.subf %get3A_173, %scan3A_142 : f32
        %broadcast_in_dim3A_175 = vector.broadcast %sub3A_174 : f32 to vector<16xf32>
        %exp3A_176 = math.exp %broadcast_in_dim3A_175 : vector<16xf32>
        %get3A_177 = arith.index_cast %scan3A_162 : i32 to index
        %get3A_178 = arith.constant 0 : index
        %get3A_179 = tpu.vector_load %arg9[%get3A_177, %get3A_178] {strides = array<i32>} : memref<250x128xf32, #tpu.memory_space<vmem>>, vector<16xf32>,
        %mul3A_180 = arith.mulf %exp3A_176, %get3A_179 : vector<16xf32>
        %add3A_181 = arith.addf %scan3A_163, %mul3A_180 : vector<16xf32>
        %get3A_182 = arith.index_cast %scan3A_162 : i32 to index
        %get3A_183 = arith.constant 16 : index
        %get3A_184 = tpu.vector_load %arg9[%get3A_182, %get3A_183] {strides = array<i32>} : memref<250x128xf32, #tpu.memory_space<vmem>>, vector<16xf32>,
        %mul3A_185 = arith.mulf %exp3A_176, %get3A_184 : vector<16xf32>
        %add3A_186 = arith.addf %scan3A_164, %mul3A_185 : vector<16xf32>
        %get3A_187 = arith.index_cast %scan3A_162 : i32 to index
        %get3A_188 = arith.constant 32 : index
        %get3A_189 = tpu.vector_load %arg9[%get3A_187, %get3A_188] {strides = array<i32>} : memref<250x128xf32, #tpu.memory_space<vmem>>, vector<16xf32>,
        %mul3A_190 = arith.mulf %exp3A_176, %get3A_189 : vector<16xf32>
        %add3A_191 = arith.addf %scan3A_165, %mul3A_190 : vector<16xf32>
        %get3A_192 = arith.index_cast %scan3A_162 : i32 to index
        %get3A_193 = arith.constant 48 : index
        %get3A_194 = tpu.vector_load %arg9[%get3A_192, %get3A_193] {strides = array<i32>} : memref<250x128xf32, #tpu.memory_space<vmem>>, vector<16xf32>,
        %mul3A_195 = arith.mulf %exp3A_176, %get3A_194 : vector<16xf32>
        %add3A_196 = arith.addf %scan3A_166, %mul3A_195 : vector<16xf32>
        %get3A_197 = arith.index_cast %scan3A_162 : i32 to index
        %get3A_198 = arith.constant 64 : index
        %get3A_199 = tpu.vector_load %arg9[%get3A_197, %get3A_198] {strides = array<i32>} : memref<250x128xf32, #tpu.memory_space<vmem>>, vector<16xf32>,
        %mul3A_200 = arith.mulf %exp3A_176, %get3A_199 : vector<16xf32>
        %add3A_201 = arith.addf %scan3A_167, %mul3A_200 : vector<16xf32>
        %get3A_202 = arith.index_cast %scan3A_162 : i32 to index
        %get3A_203 = arith.constant 80 : index
        %get3A_204 = tpu.vector_load %arg9[%get3A_202, %get3A_203] {strides = array<i32>} : memref<250x128xf32, #tpu.memory_space<vmem>>, vector<16xf32>,
        %mul3A_205 = arith.mulf %exp3A_176, %get3A_204 : vector<16xf32>
        %add3A_206 = arith.addf %scan3A_168, %mul3A_205 : vector<16xf32>
        %get3A_207 = arith.index_cast %scan3A_162 : i32 to index
        %get3A_208 = arith.constant 96 : index
        %get3A_209 = tpu.vector_load %arg9[%get3A_207, %get3A_208] {strides = array<i32>} : memref<250x128xf32, #tpu.memory_space<vmem>>, vector<16xf32>,
        %mul3A_210 = arith.mulf %exp3A_176, %get3A_209 : vector<16xf32>
        %add3A_211 = arith.addf %scan3A_169, %mul3A_210 : vector<16xf32>
        %get3A_212 = arith.index_cast %scan3A_162 : i32 to index
        %get3A_213 = arith.constant 112 : index
        %get3A_214 = tpu.vector_load %arg9[%get3A_212, %get3A_213] {strides = array<i32>} : memref<250x128xf32, #tpu.memory_space<vmem>>, vector<16xf32>,
        %mul3A_215 = arith.mulf %exp3A_176, %get3A_214 : vector<16xf32>
        %add3A_216 = arith.addf %scan3A_170, %mul3A_215 : vector<16xf32>
        %add3A_217 = arith.addf %scan3A_171, %exp3A_176 : vector<16xf32>
        %scan3A_218 = arith.constant 1 : i32
        %scan3A_219 = arith.addi %scan3A_162, %scan3A_218 : i32
        %get3A_220 = arith.index_cast %scan3A_219 : i32 to index
        %get3A_221 = memref.load %arg10[%get3A_220] : memref<250xf32, #tpu.memory_space<smem>>
        %sub3A_222 = arith.subf %get3A_221, %scan3A_142 : f32
        %broadcast_in_dim3A_223 = vector.broadcast %sub3A_222 : f32 to vector<16xf32>
        %exp3A_224 = math.exp %broadcast_in_dim3A_223 : vector<16xf32>
        %get3A_225 = arith.index_cast %scan3A_219 : i32 to index
        %get3A_226 = arith.constant 0 : index
        %get3A_227 = tpu.vector_load %arg9[%get3A_225, %get3A_226] {strides = array<i32>} : memref<250x128xf32, #tpu.memory_space<vmem>>, vector<16xf32>,
        %mul3A_228 = arith.mulf %exp3A_224, %get3A_227 : vector<16xf32>
        %add3A_229 = arith.addf %add3A_181, %mul3A_228 : vector<16xf32>
        %get3A_230 = arith.index_cast %scan3A_219 : i32 to index
        %get3A_231 = arith.constant 16 : index
        %get3A_232 = tpu.vector_load %arg9[%get3A_230, %get3A_231] {strides = array<i32>} : memref<250x128xf32, #tpu.memory_space<vmem>>, vector<16xf32>,
        %mul3A_233 = arith.mulf %exp3A_224, %get3A_232 : vector<16xf32>
        %add3A_234 = arith.addf %add3A_186, %mul3A_233 : vector<16xf32>
        %get3A_235 = arith.index_cast %scan3A_219 : i32 to index
        %get3A_236 = arith.constant 32 : index
        %get3A_237 = tpu.vector_load %arg9[%get3A_235, %get3A_236] {strides = array<i32>} : memref<250x128xf32, #tpu.memory_space<vmem>>, vector<16xf32>,
        %mul3A_238 = arith.mulf %exp3A_224, %get3A_237 : vector<16xf32>
        %add3A_239 = arith.addf %add3A_191, %mul3A_238 : vector<16xf32>
        %get3A_240 = arith.index_cast %scan3A_219 : i32 to index
        %get3A_241 = arith.constant 48 : index
        %get3A_242 = tpu.vector_load %arg9[%get3A_240, %get3A_241] {strides = array<i32>} : memref<250x128xf32, #tpu.memory_space<vmem>>, vector<16xf32>,
        %mul3A_243 = arith.mulf %exp3A_224, %get3A_242 : vector<16xf32>
        %add3A_244 = arith.addf %add3A_196, %mul3A_243 : vector<16xf32>
        %get3A_245 = arith.index_cast %scan3A_219 : i32 to index
        %get3A_246 = arith.constant 64 : index
        %get3A_247 = tpu.vector_load %arg9[%get3A_245, %get3A_246] {strides = array<i32>} : memref<250x128xf32, #tpu.memory_space<vmem>>, vector<16xf32>,
        %mul3A_248 = arith.mulf %exp3A_224, %get3A_247 : vector<16xf32>
        %add3A_249 = arith.addf %add3A_201, %mul3A_248 : vector<16xf32>
        %get3A_250 = arith.index_cast %scan3A_219 : i32 to index
        %get3A_251 = arith.constant 80 : index
        %get3A_252 = tpu.vector_load %arg9[%get3A_250, %get3A_251] {strides = array<i32>} : memref<250x128xf32, #tpu.memory_space<vmem>>, vector<16xf32>,
        %mul3A_253 = arith.mulf %exp3A_224, %get3A_252 : vector<16xf32>
        %add3A_254 = arith.addf %add3A_206, %mul3A_253 : vector<16xf32>
        %get3A_255 = arith.index_cast %scan3A_219 : i32 to index
        %get3A_256 = arith.constant 96 : index
        %get3A_257 = tpu.vector_load %arg9[%get3A_255, %get3A_256] {strides = array<i32>} : memref<250x128xf32, #tpu.memory_space<vmem>>, vector<16xf32>,
        %mul3A_258 = arith.mulf %exp3A_224, %get3A_257 : vector<16xf32>
        %add3A_259 = arith.addf %add3A_211, %mul3A_258 : vector<16xf32>
        %get3A_260 = arith.index_cast %scan3A_219 : i32 to index
        %get3A_261 = arith.constant 112 : index
        %get3A_262 = tpu.vector_load %arg9[%get3A_260, %get3A_261] {strides = array<i32>} : memref<250x128xf32, #tpu.memory_space<vmem>>, vector<16xf32>,
        %mul3A_263 = arith.mulf %exp3A_224, %get3A_262 : vector<16xf32>
        %add3A_264 = arith.addf %add3A_216, %mul3A_263 : vector<16xf32>
        %add3A_265 = arith.addf %add3A_217, %exp3A_224 : vector<16xf32>
        scf.yield %add3A_229, %add3A_234, %add3A_239, %add3A_244, %add3A_249, %add3A_254, %add3A_259, %add3A_264, %add3A_265 : vector<16xf32>, vector<16xf32>, vector<16xf32>, vector<16xf32>, vector<16xf32>, vector<16xf32>, vector<16xf32>, vector<16xf32>, vector<16xf32>
      }
      %scan3A_161 = arith.constant 250 : i32
      scf.yield %scan3A_160#0, %scan3A_160#1, %scan3A_160#2, %scan3A_160#3, %scan3A_160#4, %scan3A_160#5, %scan3A_160#6, %scan3A_160#7, %scan3A_142, %scan3A_160#8 : vector<16xf32>, vector<16xf32>, vector<16xf32>, vector<16xf32>, vector<16xf32>, vector<16xf32>, vector<16xf32>, vector<16xf32>, f32, vector<16xf32>
    }
    %scan3A_45 = arith.constant 25 : i32
    %swap3A = arith.constant 0 : index
    %swap3A_46 = tpu.vector_load %arg11[%swap3A] {strides = array<i32>} : memref<128xf32, #tpu.memory_space<vmem>>, vector<16xf32>,
    tpu.vector_store %arg11[%swap3A], %scan3A_44#0 {strides = array<i32>} : memref<128xf32, #tpu.memory_space<vmem>>, vector<16xf32>,
    %swap3A_47 = arith.constant 16 : index
    %swap3A_48 = tpu.vector_load %arg11[%swap3A_47] {strides = array<i32>} : memref<128xf32, #tpu.memory_space<vmem>>, vector<16xf32>,
    tpu.vector_store %arg11[%swap3A_47], %scan3A_44#1 {strides = array<i32>} : memref<128xf32, #tpu.memory_space<vmem>>, vector<16xf32>,
    %swap3A_49 = arith.constant 32 : index
    %swap3A_50 = tpu.vector_load %arg11[%swap3A_49] {strides = array<i32>} : memref<128xf32, #tpu.memory_space<vmem>>, vector<16xf32>,
    tpu.vector_store %arg11[%swap3A_49], %scan3A_44#2 {strides = array<i32>} : memref<128xf32, #tpu.memory_space<vmem>>, vector<16xf32>,
    %swap3A_51 = arith.constant 48 : index
    %swap3A_52 = tpu.vector_load %arg11[%swap3A_51] {strides = array<i32>} : memref<128xf32, #tpu.memory_space<vmem>>, vector<16xf32>,
    tpu.vector_store %arg11[%swap3A_51], %scan3A_44#3 {strides = array<i32>} : memref<128xf32, #tpu.memory_space<vmem>>, vector<16xf32>,
    %swap3A_53 = arith.constant 64 : index
    %swap3A_54 = tpu.vector_load %arg11[%swap3A_53] {strides = array<i32>} : memref<128xf32, #tpu.memory_space<vmem>>, vector<16xf32>,
    tpu.vector_store %arg11[%swap3A_53], %scan3A_44#4 {strides = array<i32>} : memref<128xf32, #tpu.memory_space<vmem>>, vector<16xf32>,
    %swap3A_55 = arith.constant 80 : index
    %swap3A_56 = tpu.vector_load %arg11[%swap3A_55] {strides = array<i32>} : memref<128xf32, #tpu.memory_space<vmem>>, vector<16xf32>,
    tpu.vector_store %arg11[%swap3A_55], %scan3A_44#5 {strides = array<i32>} : memref<128xf32, #tpu.memory_space<vmem>>, vector<16xf32>,
    %swap3A_57 = arith.constant 96 : index
    %swap3A_58 = tpu.vector_load %arg11[%swap3A_57] {strides = array<i32>} : memref<128xf32, #tpu.memory_space<vmem>>, vector<16xf32>,
    tpu.vector_store %arg11[%swap3A_57], %scan3A_44#6 {strides = array<i32>} : memref<128xf32, #tpu.memory_space<vmem>>, vector<16xf32>,
    %swap3A_59 = arith.constant 112 : index
    %swap3A_60 = tpu.vector_load %arg11[%swap3A_59] {strides = array<i32>} : memref<128xf32, #tpu.memory_space<vmem>>, vector<16xf32>,
    tpu.vector_store %arg11[%swap3A_59], %scan3A_44#7 {strides = array<i32>} : memref<128xf32, #tpu.memory_space<vmem>>, vector<16xf32>,
    %broadcast_in_dim3A_61 = vector.broadcast %scan3A_44#8 : f32 to vector<16xf32>
    %swap3A_62 = arith.constant 0 : index
    %swap3A_63 = tpu.vector_load %arg12[%swap3A_62] {strides = array<i32>} : memref<16xf32, #tpu.memory_space<vmem>>, vector<16xf32>,
    tpu.vector_store %arg12[%swap3A_62], %broadcast_in_dim3A_61 {strides = array<i32>} : memref<16xf32, #tpu.memory_space<vmem>>, vector<16xf32>,
    %mul3A_64 = arith.constant 6.250000e-02 : f32
    %mul3A_65 = vector.broadcast %mul3A_64 : f32 to vector<16xf32>
    %mul3A_66 = arith.mulf %scan3A_44#9, %mul3A_65 : vector<16xf32>
    %swap3A_67 = arith.constant 0 : index
    %swap3A_68 = tpu.vector_load %arg13[%swap3A_67] {strides = array<i32>} : memref<16xf32, #tpu.memory_space<vmem>>, vector<16xf32>,
    tpu.vector_store %arg13[%swap3A_67], %mul3A_66 {strides = array<i32>} : memref<16xf32, #tpu.memory_space<vmem>>, vector<16xf32>,
    "tpu.region"() ({
      %run_scoped3A = tpu.sem_alloc : memref<!tpu.dma_semaphore, #tpu.memory_space<semaphore_mem>>
      %dma_start3A_69 = arith.constant 0 : i32
      %dma_start3A_70 = tpu.memref_slice %arg6[%add3A, %dma_start3A_69] : memref<32x128xf32, #tpu.memory_space<hbm>> -> memref<1x128xf32, #tpu.memory_space<hbm>>
      %dma_start3A_71 = tpu.memref_squeeze %dma_start3A_70 : memref<1x128xf32, #tpu.memory_space<hbm>> -> memref<128xf32, #tpu.memory_space<hbm>>
      %dma_start3A_72 = arith.constant 0 : i32
      %dma_start3A_73 = tpu.memref_slice %arg6[%add3A, %dma_start3A_72] : memref<32x128xf32, #tpu.memory_space<hbm>> -> memref<1x128xf32, #tpu.memory_space<hbm>>
      %dma_start3A_74 = tpu.memref_squeeze %dma_start3A_73 : memref<1x128xf32, #tpu.memory_space<hbm>> -> memref<128xf32, #tpu.memory_space<hbm>>
      tpu.enqueue_dma source(%arg11 : memref<128xf32, #tpu.memory_space<vmem>>) target(%dma_start3A_74 : memref<128xf32, #tpu.memory_space<hbm>>) target_semaphore(%run_scoped3A : memref<!tpu.dma_semaphore, #tpu.memory_space<semaphore_mem>>)
      %dma_wait3A = arith.constant 0 : i32
      %dma_wait3A_75 = tpu.memref_slice %arg6[%add3A, %dma_wait3A] : memref<32x128xf32, #tpu.memory_space<hbm>> -> memref<1x128xf32, #tpu.memory_space<hbm>>
      %dma_wait3A_76 = tpu.memref_squeeze %dma_wait3A_75 : memref<1x128xf32, #tpu.memory_space<hbm>> -> memref<128xf32, #tpu.memory_space<hbm>>
      %dma_wait3A_77 = arith.constant 0 : i32
      %dma_wait3A_78 = tpu.memref_slice %arg6[%add3A, %dma_wait3A_77] : memref<32x128xf32, #tpu.memory_space<hbm>> -> memref<1x128xf32, #tpu.memory_space<hbm>>
      %dma_wait3A_79 = tpu.memref_squeeze %dma_wait3A_78 : memref<1x128xf32, #tpu.memory_space<hbm>> -> memref<128xf32, #tpu.memory_space<hbm>>
      tpu.wait_dma2 semaphore(%run_scoped3A : memref<!tpu.dma_semaphore, #tpu.memory_space<semaphore_mem>>) src(%arg11 : memref<128xf32, #tpu.memory_space<vmem>>) dst(%dma_wait3A_79 : memref<128xf32, #tpu.memory_space<hbm>>)
      tpu.yield
    }) : () -> ()
    "tpu.region"() ({
      %run_scoped3A = tpu.sem_alloc : memref<!tpu.dma_semaphore, #tpu.memory_space<semaphore_mem>>
      %dma_start3A_69 = arith.constant 0 : i32
      %dma_start3A_70 = tpu.memref_slice %arg4[%add3A, %dma_start3A_69] : memref<32x16xf32, #tpu.memory_space<hbm>> -> memref<1x16xf32, #tpu.memory_space<hbm>>
      %dma_start3A_71 = tpu.memref_squeeze %dma_start3A_70 : memref<1x16xf32, #tpu.memory_space<hbm>> -> memref<16xf32, #tpu.memory_space<hbm>>
      %dma_start3A_72 = arith.constant 0 : i32
      %dma_start3A_73 = tpu.memref_slice %arg4[%add3A, %dma_start3A_72] : memref<32x16xf32, #tpu.memory_space<hbm>> -> memref<1x16xf32, #tpu.memory_space<hbm>>
      %dma_start3A_74 = tpu.memref_squeeze %dma_start3A_73 : memref<1x16xf32, #tpu.memory_space<hbm>> -> memref<16xf32, #tpu.memory_space<hbm>>
      tpu.enqueue_dma source(%arg12 : memref<16xf32, #tpu.memory_space<vmem>>) target(%dma_start3A_74 : memref<16xf32, #tpu.memory_space<hbm>>) target_semaphore(%run_scoped3A : memref<!tpu.dma_semaphore, #tpu.memory_space<semaphore_mem>>)
      %dma_wait3A = arith.constant 0 : i32
      %dma_wait3A_75 = tpu.memref_slice %arg4[%add3A, %dma_wait3A] : memref<32x16xf32, #tpu.memory_space<hbm>> -> memref<1x16xf32, #tpu.memory_space<hbm>>
      %dma_wait3A_76 = tpu.memref_squeeze %dma_wait3A_75 : memref<1x16xf32, #tpu.memory_space<hbm>> -> memref<16xf32, #tpu.memory_space<hbm>>
      %dma_wait3A_77 = arith.constant 0 : i32
      %dma_wait3A_78 = tpu.memref_slice %arg4[%add3A, %dma_wait3A_77] : memref<32x16xf32, #tpu.memory_space<hbm>> -> memref<1x16xf32, #tpu.memory_space<hbm>>
      %dma_wait3A_79 = tpu.memref_squeeze %dma_wait3A_78 : memref<1x16xf32, #tpu.memory_space<hbm>> -> memref<16xf32, #tpu.memory_space<hbm>>
      tpu.wait_dma2 semaphore(%run_scoped3A : memref<!tpu.dma_semaphore, #tpu.memory_space<semaphore_mem>>) src(%arg12 : memref<16xf32, #tpu.memory_space<vmem>>) dst(%dma_wait3A_79 : memref<16xf32, #tpu.memory_space<hbm>>)
      tpu.yield
    }) : () -> ()
    "tpu.region"() ({
      %run_scoped3A = tpu.sem_alloc : memref<!tpu.dma_semaphore, #tpu.memory_space<semaphore_mem>>
      %dma_start3A_69 = arith.constant 0 : i32
      %dma_start3A_70 = tpu.memref_slice %arg5[%add3A, %dma_start3A_69] : memref<32x16xf32, #tpu.memory_space<hbm>> -> memref<1x16xf32, #tpu.memory_space<hbm>>
      %dma_start3A_71 = tpu.memref_squeeze %dma_start3A_70 : memref<1x16xf32, #tpu.memory_space<hbm>> -> memref<16xf32, #tpu.memory_space<hbm>>
      %dma_start3A_72 = arith.constant 0 : i32
      %dma_start3A_73 = tpu.memref_slice %arg5[%add3A, %dma_start3A_72] : memref<32x16xf32, #tpu.memory_space<hbm>> -> memref<1x16xf32, #tpu.memory_space<hbm>>
      %dma_start3A_74 = tpu.memref_squeeze %dma_start3A_73 : memref<1x16xf32, #tpu.memory_space<hbm>> -> memref<16xf32, #tpu.memory_space<hbm>>
      tpu.enqueue_dma source(%arg13 : memref<16xf32, #tpu.memory_space<vmem>>) target(%dma_start3A_74 : memref<16xf32, #tpu.memory_space<hbm>>) target_semaphore(%run_scoped3A : memref<!tpu.dma_semaphore, #tpu.memory_space<semaphore_mem>>)
      %dma_wait3A = arith.constant 0 : i32
      %dma_wait3A_75 = tpu.memref_slice %arg5[%add3A, %dma_wait3A] : memref<32x16xf32, #tpu.memory_space<hbm>> -> memref<1x16xf32, #tpu.memory_space<hbm>>
      %dma_wait3A_76 = tpu.memref_squeeze %dma_wait3A_75 : memref<1x16xf32, #tpu.memory_space<hbm>> -> memref<16xf32, #tpu.memory_space<hbm>>
      %dma_wait3A_77 = arith.constant 0 : i32
      %dma_wait3A_78 = tpu.memref_slice %arg5[%add3A, %dma_wait3A_77] : memref<32x16xf32, #tpu.memory_space<hbm>> -> memref<1x16xf32, #tpu.memory_space<hbm>>
      %dma_wait3A_79 = tpu.memref_squeeze %dma_wait3A_78 : memref<1x16xf32, #tpu.memory_space<hbm>> -> memref<16xf32, #tpu.memory_space<hbm>>
      tpu.wait_dma2 semaphore(%run_scoped3A : memref<!tpu.dma_semaphore, #tpu.memory_space<semaphore_mem>>) src(%arg13 : memref<16xf32, #tpu.memory_space<vmem>>) dst(%dma_wait3A_79 : memref<16xf32, #tpu.memory_space<hbm>>)
      tpu.yield
    }) : () -> ()
    return
  }
}

module attributes {stable_mosaic.version = 14 : i64} {
  func.func @_fin_body(%arg0: memref<32x16xf32, #tpu.memory_space<vmem>>, %arg1: memref<32x16xf32, #tpu.memory_space<vmem>>, %arg2: memref<32x128xf32, #tpu.memory_space<vmem>>, %arg3: memref<128x128xf32, #tpu.memory_space<vmem>>, %arg4: memref<1x128xf32, #tpu.memory_space<vmem>>, %arg5: memref<1x128xf32, #tpu.memory_space<vmem>>, %arg6: memref<4x128xf32, #tpu.memory_space<vmem>>) attributes {dimension_semantics = [], scalar_prefetch = 0 : i64, scratch_operands = 0 : i64, tpu.core_type = #tpu.core_type<tc>} {
    %get3A = arith.constant 0 : index
    %get3A_0 = arith.constant 0 : index
    %get3A_1 = vector.load %arg0[%get3A, %get3A_0] : memref<32x16xf32, #tpu.memory_space<vmem>>, vector<32x16xf32>
    %reshape3A = vector.shape_cast %get3A_1 : vector<32x16xf32> to vector<4x8x16xf32>
    %get3A_2 = arith.constant 0 : index
    %get3A_3 = arith.constant 0 : index
    %get3A_4 = vector.load %arg1[%get3A_2, %get3A_3] : memref<32x16xf32, #tpu.memory_space<vmem>>, vector<32x16xf32>
    %reshape3A_5 = vector.shape_cast %get3A_4 : vector<32x16xf32> to vector<4x8x16xf32>
    %get3A_6 = arith.constant 0 : index
    %get3A_7 = arith.constant 0 : index
    %get3A_8 = vector.load %arg2[%get3A_6, %get3A_7] : memref<32x128xf32, #tpu.memory_space<vmem>>, vector<32x128xf32>
    %reshape3A_9 = vector.shape_cast %get3A_8 : vector<32x128xf32> to vector<4x8x128xf32>
    %slice3A = vector.extract_strided_slice %reshape3A {offsets = [0, 0, 0], sizes = [4, 8, 1], strides = [1, 1, 1]} : vector<4x8x16xf32> to vector<4x8x1xf32>
    %reduce_max3A = arith.constant dense<0xFF800000> : vector<4x1xf32>
    %reduce_max3A_10 = vector.multi_reduction <maximumf>, %slice3A, %reduce_max3A [1] : vector<4x8x1xf32> to vector<4x1xf32>
    %broadcast_in_dim3A = vector.shape_cast %reduce_max3A_10 : vector<4x1xf32> to vector<4x1x1xf32>
    %sub3A = vector.broadcast %broadcast_in_dim3A : vector<4x1x1xf32> to vector<4x8x1xf32>
    %sub3A_11 = arith.subf %slice3A, %sub3A : vector<4x8x1xf32>
    %exp3A = math.exp %sub3A_11 : vector<4x8x1xf32>
    %reduce_sum3A = arith.constant dense<0.000000e+00> : vector<4x8xf32>
    %reduce_sum3A_12 = vector.multi_reduction <add>, %reshape3A_5, %reduce_sum3A [2] : vector<4x8x16xf32> to vector<4x8xf32>
    %broadcast_in_dim3A_13 = vector.shape_cast %reduce_sum3A_12 : vector<4x8xf32> to vector<4x8x1xf32>
    %mul3A = arith.mulf %exp3A, %broadcast_in_dim3A_13 : vector<4x8x1xf32>
    %reduce_sum3A_14 = arith.constant dense<0.000000e+00> : vector<4x1xf32>
    %reduce_sum3A_15 = vector.multi_reduction <add>, %mul3A, %reduce_sum3A_14 [1] : vector<4x8x1xf32> to vector<4x1xf32>
    %mul3A_16 = vector.broadcast %exp3A : vector<4x8x1xf32> to vector<4x8x128xf32>
    %mul3A_17 = arith.mulf %mul3A_16, %reshape3A_9 : vector<4x8x128xf32>
    %reduce_sum3A_18 = arith.constant dense<0.000000e+00> : vector<4x128xf32>
    %reduce_sum3A_19 = vector.multi_reduction <add>, %mul3A_17, %reduce_sum3A_18 [1] : vector<4x8x128xf32> to vector<4x128xf32>
    %div3A = vector.broadcast %reduce_sum3A_15 : vector<4x1xf32> to vector<4x128xf32>
    %div3A_20 = arith.divf %reduce_sum3A_19, %div3A : vector<4x128xf32>
    %get3A_21 = arith.constant 0 : index
    %get3A_22 = arith.constant 0 : index
    %get3A_23 = vector.load %arg3[%get3A_21, %get3A_22] : memref<128x128xf32, #tpu.memory_space<vmem>>, vector<128x128xf32>
    %dot_general3A = arith.constant dense<0.000000e+00> : vector<4x128xf32>
    %dot_general3A_24 = tpu.matmul %div3A_20, %get3A_23, %dot_general3A {dimension_numbers = #tpu.dot_dimension_numbers<[1], [0], [0], [1], [0, 0, 1, 1], [], []>, transpose_lhs_hint = false} : vector<4x128xf32>, vector<128x128xf32>, vector<4x128xf32> -> vector<4x128xf32>
    %reduce_sum3A_25 = arith.constant dense<0.000000e+00> : vector<4xf32>
    %reduce_sum3A_26 = vector.multi_reduction <add>, %dot_general3A_24, %reduce_sum3A_25 [1] : vector<4x128xf32> to vector<4xf32>
    %broadcast_in_dim3A_27 = vector.shape_cast %reduce_sum3A_26 : vector<4xf32> to vector<4x1xf32>
    %div3A_28 = arith.constant 1.280000e+02 : f32
    %div3A_29 = vector.broadcast %div3A_28 : f32 to vector<4x1xf32>
    %div3A_30 = arith.divf %broadcast_in_dim3A_27, %div3A_29 : vector<4x1xf32>
    %sub3A_31 = vector.broadcast %div3A_30 : vector<4x1xf32> to vector<4x128xf32>
    %sub3A_32 = arith.subf %dot_general3A_24, %sub3A_31 : vector<4x128xf32>
    %integer_pow3A = arith.mulf %sub3A_32, %sub3A_32 : vector<4x128xf32>
    %reduce_sum3A_33 = arith.constant dense<0.000000e+00> : vector<4xf32>
    %reduce_sum3A_34 = vector.multi_reduction <add>, %integer_pow3A, %reduce_sum3A_33 [1] : vector<4x128xf32> to vector<4xf32>
    %broadcast_in_dim3A_35 = vector.shape_cast %reduce_sum3A_34 : vector<4xf32> to vector<4x1xf32>
    %div3A_36 = arith.constant 1.280000e+02 : f32
    %div3A_37 = vector.broadcast %div3A_36 : f32 to vector<4x1xf32>
    %div3A_38 = arith.divf %broadcast_in_dim3A_35, %div3A_37 : vector<4x1xf32>
    %sub3A_39 = vector.broadcast %div3A_30 : vector<4x1xf32> to vector<4x128xf32>
    %sub3A_40 = arith.subf %dot_general3A_24, %sub3A_39 : vector<4x128xf32>
    %add3A = arith.constant 9.99999974E-6 : f32
    %add3A_41 = vector.broadcast %add3A : f32 to vector<4x1xf32>
    %add3A_42 = arith.addf %div3A_38, %add3A_41 : vector<4x1xf32>
    %rsqrt3A = math.rsqrt %add3A_42 : vector<4x1xf32>
    %mul3A_43 = vector.broadcast %rsqrt3A : vector<4x1xf32> to vector<4x128xf32>
    %mul3A_44 = arith.mulf %sub3A_40, %mul3A_43 : vector<4x128xf32>
    %get3A_45 = arith.constant 0 : index
    %get3A_46 = arith.constant 0 : index
    %get3A_47 = vector.load %arg4[%get3A_45, %get3A_46] : memref<1x128xf32, #tpu.memory_space<vmem>>, vector<1x128xf32>
    %mul3A_48 = vector.broadcast %get3A_47 : vector<1x128xf32> to vector<4x128xf32>
    %mul3A_49 = arith.mulf %mul3A_44, %mul3A_48 : vector<4x128xf32>
    %get3A_50 = arith.constant 0 : index
    %get3A_51 = arith.constant 0 : index
    %get3A_52 = vector.load %arg5[%get3A_50, %get3A_51] : memref<1x128xf32, #tpu.memory_space<vmem>>, vector<1x128xf32>
    %add3A_53 = vector.broadcast %get3A_52 : vector<1x128xf32> to vector<4x128xf32>
    %add3A_54 = arith.addf %mul3A_49, %add3A_53 : vector<4x128xf32>
    %swap3A = arith.constant 0 : index
    %swap3A_55 = arith.constant 0 : index
    %swap3A_56 = vector.load %arg6[%swap3A, %swap3A_55] : memref<4x128xf32, #tpu.memory_space<vmem>>, vector<4x128xf32>
    tpu.vector_store %arg6[%swap3A, %swap3A_55], %add3A_54 {strides = array<i32>} : memref<4x128xf32, #tpu.memory_space<vmem>>, vector<4x128xf32>,
    return
  }
}

module attributes {stable_mosaic.version = 14 : i64} {
  func.func @_v_body(%arg0: memref<1x128xf32, #tpu.memory_space<vmem>>, %arg1: memref<128x128xf32, #tpu.memory_space<vmem>>, %arg2: memref<1x128xf32, #tpu.memory_space<vmem>>) attributes {dimension_semantics = [], scalar_prefetch = 0 : i64, scratch_operands = 0 : i64, tpu.core_type = #tpu.core_type<tc>} {
    %get3A = arith.constant 0 : index
    %get3A_0 = arith.constant 0 : index
    %get3A_1 = vector.load %arg0[%get3A, %get3A_0] : memref<1x128xf32, #tpu.memory_space<vmem>>, vector<1x128xf32>
    %get3A_2 = arith.constant 0 : index
    %get3A_3 = arith.constant 0 : index
    %get3A_4 = vector.load %arg1[%get3A_2, %get3A_3] : memref<128x128xf32, #tpu.memory_space<vmem>>, vector<128x128xf32>
    %dot_general3A = arith.constant dense<0.000000e+00> : vector<1x128xf32>
    %dot_general3A_5 = tpu.matmul %get3A_1, %get3A_4, %dot_general3A {dimension_numbers = #tpu.dot_dimension_numbers<[1], [1], [0], [0], [0, 0, 1, 0], [], []>, transpose_lhs_hint = false} : vector<1x128xf32>, vector<128x128xf32>, vector<1x128xf32> -> vector<1x128xf32>
    %swap3A = arith.constant 0 : index
    %swap3A_6 = arith.constant 0 : index
    %swap3A_7 = vector.load %arg2[%swap3A, %swap3A_6] : memref<1x128xf32, #tpu.memory_space<vmem>>, vector<1x128xf32>
    tpu.vector_store %arg2[%swap3A, %swap3A_6], %dot_general3A_5 {strides = array<i32>} : memref<1x128xf32, #tpu.memory_space<vmem>>, vector<1x128xf32>,
    return
  }
}

</mosaic_0001>

<sc_bundles>
// kernel: kernel.5.cloned.1.call-start
scs
__scs_entry_jumppad:
0x0: {  	(pc) =	sbr.rel $0x88, $3  }
0x1: {  	(tag) =	ssettag $0x0;
	lr =	simm.s32 $0x1  }
0x2: {  	[smem:$0x3F9C] =	sst lr;
	_ =	strace $0xD0000000  }
0x3: {  	_ = 	snop  }
0x4: {  	_ = 	snop  }
0x5: {  	_ = 	snop  }
0x6: {  	_ = 	snop  }
0x7: {  	_ = 	snop  }
__scs_overlays_trampoline_lowered:
0x8: {  	[smem:$0x3FAB] =	sst s0  }
0x9: {  	[smem:$0x3FAC] =	sst s1  }
0xa: {  	[smem:$0x3FAD] =	sst s2  }
0xb: {  	[smem:$0x3FAE] =	sst s3  }
0xc: {  	[smem:$0x3FAF] =	sst s4  }
0xd: {  	[smem:$0x3FB0] =	sst s5  }
0xe: {  	[smem:$0x3FB1] =	sst s6  }
0xf: {  	[smem:$0x3FB2] =	sst s7  }
0x10: {  	[smem:$0x3FB3] =	sst s8  }
0x11: {  	[smem:$0x3FB4] =	sst s9;
	s0 =	simm.s32 @!p0 $0x0  }
0x12: {  	s1 =	sld [smem:$0x3F9A];
	s0 =	simm.s32 @p0 $0x1  }
0x13: {  	[smem:$0x3FB5] =	sst s0;
	s0 =	simm.s32 @!p1 $0x0  }
0x14: {  	s2 =	sld [smem:$0x3F99];
	s0 =	simm.s32 @p1 $0x1  }
0x15: {  	[smem:$0x3FB6] =	sst s0;
	s0 =	simm.s32 @!p2 $0x0  }
0x16: {  	s3 =	sld [smem:$0x3FDB];
	s0 =	simm.s32 @p2 $0x1  }
0x17: {  	s4 =	simm.s32 $0x1BF5;
	[smem:$0x3FB8] =	sst s0  }
0x18: {  	s0 =	sld [smem:$0x3F9B];
	_ =	swait.ge [sflag:s4], $0x0  }
0x19: {  	s7 =	sld [smem:$0x3F9C]  }
0x1a: {  	s8 =	sadd.s32 $0xFFFFE003, lr  }
0x1b: {  	s9 =	sadd.s32 $0xFFFFFEF7, lr;
	s5 =	simm.s32 $0xFFFFFFFF;
	p2 =	slt.u32 s8, $0xFFFFF086  }
0x1c: {  	p1 =	slt.u32 s9, $0xF7A;
	s5 =	simm.s32 @!p2 $0x0  }
0x1d: {  	s5 =	simm.s32 @p1 $0x1;
	p0 =	seq.s32 s7, s2  }
0x1e: {  	s7 =	smul.u32 @!p0 $0xF7A, s2;
	p2 =	seq.s32 @!p0 s5, $0x0  }
0x1f: {  	s9 =	smul.u32 $0xF7A, s1;
	s8 =	simm.s32 @!p0 $0x1BF5;
	p2 =	por !p2, p0  }
0x20: {  	[sflag:s8] =	ssyncset.s32 @!p0 $0xFFFFF086;
	s6 =	sadd.s32 @!p0 s3, s7;
	s7 =	simm.s32 @!p0 $0x108  }
0x21: {  	s3 =	sadd.s32 s3, s9;
	s6 =	sadd.s32 @!p0 $0x88, s6;
	s7 =	simm.s32 @p2 $0x1082  }
0x22: {  	[simem:s7], [sflag:s8] =	dma.local @!p0 [hbm:s6], $0xF7A  }
0x23: {  	s9 =	sor.u32 $0xD0000000, s2;
	s6 =	simm.s32 $0x108;
	_ =	swait.ge @!p0 [sflag:s8], $0x0  }
0x24: {  	s3 =	sadd.s32 $0x88, s3;
	s6 =	simm.s32 @!p1 $0x1082;
	[sflag:s4] =	ssyncset.s32 $0xFFFFF086  }
0x25: {  	[simem:s6], [sflag:s4] =	dma.local [hbm:s3], $0xF7A  }
0x26: {  	[smem:$0x3F9C] =	sst s1;
	(tag) =	ssettag s2;
	_ =	strace s9  }
0x27: {  	s1 =	sld [smem:$0x3FAC]  }
0x28: {  	s2 =	sld [smem:$0x3FAD]  }
0x29: {  	s4 =	sld [smem:$0x3FAF]  }
0x2a: {  	p0 =	seq.s32 s5, $0x0;
	s5 =	sld [smem:$0x3FB0]  }
0x2b: {  	s6 =	sld [smem:$0x3FB1]  }
0x2c: {  	s7 =	sld [smem:$0x3FB2]  }
0x2d: {  	s3 =	simm.s32 $0x108;
	s8 =	sld [smem:$0x3FB3]  }
0x2e: {  	s3 =	simm.s32 @!p0 $0x1082;
	s9 =	sld [smem:$0x3FB4]  }
0x2f: {  	lr =	sadd.s32 s0, s3;
	s0 =	sld [smem:$0x3FAB]  }
0x30: {  	s3 =	sld [smem:$0x3FAE]  }
0x31: {  	[smem:$0x3FB7] =	sst s10  }
0x32: {  	s10 =	sld [smem:$0x3FB5];
	_ =	sdelay $0x3  }
0x33: {  	p0 =	seq.s32 s10, $0x1;
	s10 =	sld [smem:$0x3FB7];
	_ =	sdelay $0x3  }
0x34: {  	[smem:$0x3FB7] =	sst s10  }
0x35: {  	s10 =	sld [smem:$0x3FB6];
	_ =	sdelay $0x3  }
0x36: {  	p1 =	seq.s32 s10, $0x1;
	s10 =	sld [smem:$0x3FB7];
	_ =	sdelay $0x3  }
0x37: {  	[smem:$0x3FB7] =	sst s10  }
0x38: {  	s10 =	sld [smem:$0x3FB8]  }
0x39: {  	_ = 	snop;
	(pc) =	sbr.ind lr, $3  }
0x3a: {  	_ = 	snop  }
0x3b: {  	_ = 	snop  }
0x3c: {  	p2 =	seq.s32 s10, $0x1;
	s10 =	sld [smem:$0x3FB7]  }
0x3d: {  	_ =	shalt  }
0x3e: {  	_ =	shalt  }
0x3f: {  	_ =	shalt  }
0x40: {  	_ =	shalt  }
0x41: {  	_ =	shalt  }
0x42: {  	_ =	shalt  }
0x43: {  	_ =	shalt  }
0x44: {  	_ =	shalt  }
0x45: {  	_ =	shalt  }
0x46: {  	_ =	shalt  }
0x47: {  	_ =	shalt  }
0x48: {  	_ =	shalt  }
0x49: {  	_ =	shalt  }
0x4a: {  	_ =	shalt  }
0x4b: {  	_ =	shalt  }
0x4c: {  	_ =	shalt  }
0x4d: {  	_ =	shalt  }
0x4e: {  	_ =	shalt  }
0x4f: {  	_ =	shalt  }
0x50: {  	_ =	shalt  }
0x51: {  	_ =	shalt  }
0x52: {  	_ =	shalt  }
0x53: {  	_ =	shalt  }
0x54: {  	_ =	shalt  }
0x55: {  	_ =	shalt  }
0x56: {  	_ =	shalt  }
0x57: {  	_ =	shalt  }
0x58: {  	_ =	shalt  }
0x59: {  	_ =	shalt  }
0x5a: {  	_ =	shalt  }
0x5b: {  	_ =	shalt  }
0x5c: {  	_ =	shalt  }
0x5d: {  	_ =	shalt  }
0x5e: {  	_ =	shalt  }
0x5f: {  	_ =	shalt  }
0x60: {  	_ =	shalt  }
0x61: {  	_ =	shalt  }
0x62: {  	_ =	shalt  }
0x63: {  	_ =	shalt  }
0x64: {  	_ =	shalt  }
0x65: {  	_ =	shalt  }
0x66: {  	_ =	shalt  }
0x67: {  	_ =	shalt  }
0x68: {  	_ =	shalt  }
0x69: {  	_ =	shalt  }
0x6a: {  	_ =	shalt  }
0x6b: {  	_ =	shalt  }
0x6c: {  	_ =	shalt  }
0x6d: {  	_ =	shalt  }
0x6e: {  	_ =	shalt  }
0x6f: {  	_ =	shalt  }
0x70: {  	_ =	shalt  }
0x71: {  	_ =	shalt  }
0x72: {  	_ =	shalt  }
0x73: {  	_ =	shalt  }
0x74: {  	_ =	shalt  }
0x75: {  	_ =	shalt  }
0x76: {  	_ =	shalt  }
0x77: {  	_ =	shalt  }
0x78: {  	_ =	shalt  }
0x79: {  	_ =	shalt  }
0x7a: {  	_ =	shalt  }
0x7b: {  	_ =	shalt  }
0x7c: {  	_ =	shalt  }
0x7d: {  	_ =	shalt  }
0x7e: {  	_ =	shalt  }
0x7f: {  	_ =	shalt  }
0x80: {  	_ =	shalt  }
0x81: {  	_ =	shalt  }
0x82: {  	_ =	shalt  }
0x83: {  	_ =	shalt  }
0x84: {  	_ =	shalt  }
0x85: {  	_ =	shalt  }
0x86: {  	_ =	shalt  }
0x87: {  	_ =	shalt  }
.Lfunc_end0:
.L_simem_size_0:
called_computation_lowered:
.L_overlay_start_0:
0x88: {  	s2 =	sld [smem:$0x3FD9]  }
0x89: {  	s3 =	sld [smem:$0x3FFE];
	_ =	sdelay $0x1  }
0x8a: {  	s1 =	srdreg.scid  }
0x8b: {  	s0 =	sand.u32 $0x1, s1  }
0x8c: {  	s17 =	sshll.u32 s0, $0xA;
	s2 =	sadd.s32 s3, s2  }
0x8d: {  	s2 =	sadd.s32 s2, s17  }
0x8e: {  	[smem:$0x3FC3] =	sst s2  }
0x8f: {  	_ = 	snop  }
0x90: {  	s2 =	sld [smem:$0x3FC9]  }
0x91: {  	s18 =	sld [smem:$0x3FD0];
	(tm) =	ssettm $0x1  }
0x92: {  	s4 =	sld [smem:$0x3FFB];
	_ =	sdelay $0x3  }
0x93: {  	_ =	strace s4  }
0x94: {  	s4 =	sld [smem:$0x3FFC];
	_ =	sdelay $0x3  }
0x95: {  	_ =	strace s4  }
0x96: {  	s4 =	sld [smem:$0x3FFD];
	_ =	sdelay $0x3  }
0x97: {  	_ =	strace s4  }
0x98: {  	_ =	strace $0x8FFFFFFF  }
0x99: {  	s19 =	sld [smem:$0x3FDB];
	_ =	sdelay $0x1  }
0x9a: {  	s5 =	simm.s32 $_scs_section_size  }
0x9b: {  	s6 =	simm.s32 $_size__tile_overlayer_lowered;
	s7 =	simm.s32 $_tile_overlayer_lowered  }
0x9c: {  	s22 =	simm.s32 $0x1BFF;
	s21 =	sshll.u32 s7, $0x1;
	s4 =	sadd.s32 s5, s19  }
0x9d: {  	s8 =	simm.s32 $0x0;
	s20 =	sshll.u32 s6, $0x1;
	s6 =	sadd.s32 s21, s4  }
0x9e: {  	[timem:s8], [sflag:s22] =	dma.local [hbm:s6], s20  }
0x9f: {  	_ =	swait.ge [sflag:s22], s20  }
0xa0: {  	s5 =	ssub.s32 $0x0, s20;
	[sflag:s22] =	ssyncset.done $0x0  }
0xa1: {  	[sflag:s22] =	ssyncadd.s32 s5;
	_ =	sdelay $0x1  }
0xa2: {  	s23 =	simm.s32 $0x1B8B  }
0xa3: {  	_ =	swait.ge [sflag:s23], $0x1  }
0xa4: {  	[sflag:s23] =	ssyncset.done $0x0  }
0xa5: {  	s25 =	simm.s32 $0x1B8E;
	s24 =	sld [smem:$0x3FFE];
	[sflag:s23] =	ssyncadd.s32 $0xFFFFFFFF  }
0xa6: {  	s26 =	simm.s32 $execute0_lowered;
	[smem:$0x3FD2] =	sst s25  }
0xa7: {  	s6 =	sshll.u32 s26, $0x1;
	_ =	strace $0x80000046;
	[dreg:$0x1] =	wrdreg $0xFFFFFFFF  }
0xa8: {  	s28 =	simm.s32 $_size_execute0_lowered;
	s4 =	sadd.s32 s4, s6;
	[dreg:$0x0] =	wrdreg $0x0  }
0xa9: {  	s6 =	sshll.u32 s28, $0x1;
	[dreg:$0x2] =	wrdreg s4  }
0xaa: {  	[dreg:$0x3] =	wrdreg s6  }
0xab: {  	[dreg:$0x4] =	wrdreg $0xC0  }
0xac: {  	_ =	task [dreg:s8], $0x5FFFF  }
0xad: {  	[dreg:$0x1] =	wrdreg $0xFFFFFFFF  }
0xae: {  	[dreg:$0x0] =	wrdreg $0x60  }
0xaf: {  	[dreg:$0x2] =	wrdreg s2  }
0xb0: {  	[dreg:$0x3] =	wrdreg s24  }
0xb1: {  	[dreg:$0x4] =	wrdreg s18  }
0xb2: {  	[dreg:$0x5] =	wrdreg $0x9  }
0xb3: {  	_ =	task.clear_ibuf [dreg:s8], $0x6FFFF;
	_ =	strace $0x90000046  }
0xb4: {  	s29 =	simm.s32 $0x9;
	_ =	strace $0x80000048  }
0xb5: {  	_ =	swait.ge [sflag:s29], $0x1  }
0xb6: {  	[sflag:s29] =	ssyncadd.s32 $0xFFFFFFFF  }
0xb7: {  	_ =	strace $0x90000048  }
0xb8: {  	_ =	sfence  }
0xb9: {  	s30 =	sld [smem:$0x0];
	_ =	sdelay $0x2  }
0xba: {  	s31 =	sshll.u32 s1, $0xD;
	s1 =	sshrl.u32 s1, $0x2  }
0xbb: {  	s3 =	sand.u32 $0x4000, s31;
	s1 =	sadd.s32 s1, s30  }
0xbc: {  	s0 =	sor.u32 s3, s0;
	s1 =	sshll.u32 s1, $0x11  }
0xbd: {  	s0 =	sor.u32 s1, s0  }
0xbe: {  	s0 =	sadd.s32 $0x8F2B, s0  }
0xbf: {  	[sflag:s0] =	ssyncadd.remote.s32 $0x1  }
0xc0: {  	_ =	sfence.sel $0xFFFF  }
0xc1: {  	[dreg:$0x0] =	wrdreg $0xFFFFFFFF;
	(pc) =	sbr.abs _section_cstart, $3  }
0xc2: {  	[dreg:$0x1] =	wrdreg $0xFFFFFFFF  }
0xc3: {  	_ =	task.clear_ibuf [dreg:s8], $0x2FFFF;
	_ =	strace $0x9FFFFFFF  }
0xc4: {  	(tm) =	ssettm $0x7FFFFFFF  }
0xc5: {  	_ =	shalt  }
tec
execute0_lowered:
.L_overlay_start_1:
0x0: {  	(tag) =	ssettag $0x1  }
0x1: {  	s1 =	rddreg [dreg:$0x0]  }
0x2: {  	s5 =	rddreg [dreg:$0x1]  }
0x3: {  	s9 =	rddreg [dreg:$0x2]  }
0x4: {  	s3 =	simm.s32 $0x0;
	s4 =	srdreg.scid;
	s0 =	stileid.u32  }
0x5: {  	s14 =	simm.s32 $0x7D80;
	s15 =	simm.s32 $0x2;
	s16 =	simm.s32 $0xFA80  }
0x6: {  	s17 =	simm.s32 $0xFB00;
	s18 =	simm.s32 $0xFB10;
	s19 =	simm.s32 $0x0  }
0x7: {  	[smem:$0x7FF] =	sst s3;
	s6 =	sand.u32 $0x1, s4;
	s7 =	sshll.u32 s0, $0x1  }
0x8: {  	s4 =	sadd.s32 $0x1600, s5;
	_ =	strace $0x80000047;
	s7 =	sor.u32 s6, s7  }
0x9: {  	s6 =	ssub.s32 $0x2, s6;
	s10 =	sshll.u32 s7, $0x1;
	s8 =	smul.u32 $0x30D4, s7  }
0xa: {  	s11 =	sshll.u32 s7, $0x4;
	s12 =	sshrl.u32 s6, $0x1;
	s7 =	smul.u32 $0x30D40, s7  }
0xb: {  	s13 =	sadd.s32 s10, s5;
	s11 =	sadd.s32 s11, s5;
	s12 =	ssub.s32 s6, s12  }
0xc: {  	s9 =	sadd.s32 s9, s10;
	s5 =	sadd.s32 s1, s7;
	s6 =	sadd.s32 $0xFA, s8  }
0xd: {  	s7 =	sadd.s32 $0x1F4, s8;
	s8 =	sadd.s32 $0x1A00, s11;
	s10 =	sadd.s32 $0x1800, s13  }
0xe: {  	s11 =	smax.u32 s12, $0x1;
	s12 =	simm.s32 $0x3;
	s13 =	simm.s32 $0x80  }
.LBB2_1:
0xf: {  	[tilespmem:s3], [sflag:$0x3] =	stream.linear.gather [hbm4b:s4+s3], $0x80, $0x38;
	[tilespmem:$0xFB20] =	vst v63  }
0x10: {  	_ =	swait.ge [sflag:s12], $0x80  }
0x11: {  	[sflag:s12] =	ssyncset.done $0x0  }
0x12: {  	[sflag:s12] =	ssyncadd.s32 $0xFFFFFF80  }
0x13: {  	v0 =	vld [tilespmem:$0x0]  }
0x14: {  	v1 =	vld [tilespmem:$0x10]  }
0x15: {  	v2 =	vld [tilespmem:$0x20]  }
0x16: {  	v6 =	vld [tilespmem:$0x60]  }
0x17: {  	v5 =	vld [tilespmem:$0x50]  }
0x18: {  	v9 =	vimm.f32 $0.0e+00;
	v8 =	vimm.f32 $0.0e+00;
	v11 =	vimm.f32 $0.0e+00;
	v7 =	vld [tilespmem:$0x70]  }
0x19: {  	v10 =	vimm.f32 $0.0e+00;
	v13 =	vimm.f32 $0.0e+00;
	v15 =	vimm.f32 $0.0e+00;
	s21 =	simm.f32 $-1.000000020e+30;
	s20 =	simm.s32 $0x0;
	v3 =	vld [tilespmem:$0x30]  }
0x1a: {  	v12 =	vimm.f32 $0.0e+00;
	v14 =	vimm.f32 $0.0e+00;
	v16 =	vimm.f32 $0.0e+00;
	v4 =	vld [tilespmem:$0x40];
	[tilespmem:s13], [sflag:$0x1] =	stream.linear.gather [hbm4b:s5+s3], $0x7D00, $0x38  }
.LBB2_2:
0x1b: {  	s23 =	smul.u32 $0x1F4, s20;
	_ =	sdelay $0x1  }
0x1c: {  	s24 =	simm.s32 $0x1;
	s22 =	sadd.s32 s23, s6  }
0x1d: {  	_ =	swait.ge [sflag:s24], $0x7D00;
	s22 =	sshll.u32 s22, $0x4  }
0x1e: {  	[sflag:s24] =	ssyncset.done $0x0;
	s22 =	sand.u32 $0x1FFFFFE0, s22  }
0x1f: {  	s26 =	simm.s32 $0x100;
	[sflag:s24] =	ssyncadd.s32 $0xFFFF8300;
	s22 =	sadd.s32 s1, s22  }
0x20: {  	[tilespmem:s14], [sflag:$0x2] =	stream.linear.gather [hbm4b:s22+s3], $0x7D00, $0x38;
	[tilespmem:$0xFB20] =	vst v63  }
0x21: {  	v17 =	vld [tilespmem:s26+$0x0]  }
0x22: {  	v18 =	vld [tilespmem:s26+$0x10]  }
0x23: {  	v19 =	vld [tilespmem:s26+$0x20]  }
0x24: {  	v20 =	vld [tilespmem:s26+$0xFFFFFF80]  }
0x25: {  	v21 =	vld [tilespmem:s26+$0xFFFFFF90]  }
0x26: {  	v22 =	vld [tilespmem:s26+$0x30]  }
0x27: {  	v23 =	vld [tilespmem:s26+$0xFFFFFFA0]  }
0x28: {  	v24 =	vld [tilespmem:s26+$0x40]  }
0x29: {  	v25 =	vld [tilespmem:s26+$0xFFFFFFB0]  }
0x2a: {  	v26 =	vld [tilespmem:s26+$0x50]  }
0x2b: {  	v27 =	vld [tilespmem:s26+$0xFFFFFFC0]  }
0x2c: {  	v28 =	vld [tilespmem:s26+$0x60]  }
0x2d: {  	v29 =	vld [tilespmem:s26+$0xFFFFFFD0];
	v17 =	vmul.f32 v17, v0;
	v18 =	vmul.f32 v18, v1  }
0x2e: {  	v30 =	vld [tilespmem:s26+$0x70];
	v20 =	vmul.f32 v20, v0;
	v21 =	vmul.f32 v21, v1  }
0x2f: {  	v31 =	vld [tilespmem:s26+$0xFFFFFFE0];
	v17 =	vadd.f32 v18, v17;
	v18 =	vmul.f32 v19, v2  }
0x30: {  	s28 =	simm.s32 $0x200;
	v32 =	vld [tilespmem:s26+$0xFFFFFFF0];
	v20 =	vadd.f32 v21, v20;
	v21 =	vmul.f32 v23, v2  }
0x31: {  	v33 =	vld [tilespmem:s28+$0x0];
	v17 =	vadd.f32 v18, v17;
	v18 =	vmul.f32 v22, v3  }
0x32: {  	v45 =	vld [tilespmem:s28+$0xFFFFFFB0];
	v20 =	vadd.f32 v21, v20;
	v21 =	vmul.f32 v25, v3  }
0x33: {  	v46 =	vld [tilespmem:s28+$0x50];
	v17 =	vadd.f32 v18, v17;
	v18 =	vmul.f32 v24, v4  }
0x34: {  	v47 =	vld [tilespmem:s28+$0xFFFFFFC0];
	v20 =	vadd.f32 v21, v20;
	v21 =	vmul.f32 v27, v4  }
0x35: {  	v19 =	vld [tilespmem:s28+$0x10];
	v17 =	vadd.f32 v18, v17;
	v18 =	vmul.f32 v26, v5  }
0x36: {  	v23 =	vld [tilespmem:s28+$0x20];
	v20 =	vadd.f32 v21, v20;
	v21 =	vmul.f32 v29, v5  }
0x37: {  	v22 =	vld [tilespmem:s28+$0xFFFFFF80];
	v17 =	vadd.f32 v18, v17;
	v18 =	vmul.f32 v28, v6  }
0x38: {  	v25 =	vld [tilespmem:s28+$0xFFFFFF90];
	v20 =	vadd.f32 v21, v20;
	v21 =	vmul.f32 v31, v6  }
0x39: {  	v48 =	vmul.f32 v32, v7;
	v24 =	vld [tilespmem:s28+$0x30];
	v17 =	vadd.f32 v18, v17;
	v18 =	vmul.f32 v30, v7  }
0x3a: {  	v27 =	vld [tilespmem:s28+$0xFFFFFFA0];
	v19 =	vmul.f32 v19, v1;
	v20 =	vadd.f32 v21, v20;
	v21 =	vmul.f32 v33, v0  }
0x3b: {  	v26 =	vld [tilespmem:s28+$0x40];
	v17 =	vadd.f32 v18, v17  }
0x3c: {  	v49 =	vld [tilespmem:s28+$0x60];
	v20 =	vadd.f32 v48, v20;
	v19 =	vadd.f32 v19, v21;
	v21 =	vmul.f32 v23, v2  }
0x3d: {  	v50 =	vld [tilespmem:s28+$0xFFFFFFD0];
	(xrf2) =	vadd.scan.msk.f32 $0xffff, v17;
	v17 =	vmul.f32 v22, v0;
	v22 =	vmul.f32 v25, v1  }
0x3e: {  	s29 =	simm.s32 $0x300;
	v18 =	vld [tilespmem:s28+$0x70];
	v19 =	vadd.f32 v21, v19;
	(xrf2) =	vadd.scan.msk.f32 $0xffff, v20;
	v20 =	vmul.f32 v24, v3  }
0x3f: {  	v21 =	vld [tilespmem:s29+$0x0];
	v17 =	vadd.f32 v22, v17;
	v22 =	vmul.f32 v27, v2  }
0x40: {  	v24 =	vld [tilespmem:s29+$0x10];
	v19 =	vadd.f32 v20, v19;
	v20 =	vmul.f32 v26, v4  }
0x41: {  	v51 =	vld [tilespmem:s29+$0xFFFFFF90];
	v17 =	vadd.f32 v22, v17  }
0x42: {  	v23 =	vld [tilespmem:s28+$0xFFFFFFE0];
	v22 =	vmul.f32 v45, v3;
	v19 =	vadd.f32 v20, v19;
	v20 =	vmul.f32 v46, v5  }
0x43: {  	v53 =	vmul.f32 v49, v6;
	v26 =	vld [tilespmem:s29+$0x20];
	v18 =	vmul.f32 v18, v7  }
0x44: {  	v52 =	vld [tilespmem:s29+$0x30];
	v17 =	vadd.f32 v22, v17;
	v22 =	vmul.f32 v47, v4;
	v19 =	vadd.f32 v20, v19  }
0x45: {  	v25 =	vld [tilespmem:s28+$0xFFFFFFF0];
	v21 =	vmul.f32 v21, v0;
	v24 =	vmul.f32 v24, v1  }
0x46: {  	v27 =	vld [tilespmem:s29+$0xFFFFFF80];
	v17 =	vadd.f32 v22, v17;
	v22 =	vmul.f32 v50, v5;
	v19 =	vadd.f32 v53, v19  }
0x47: {  	v54 =	vld [tilespmem:s29+$0x40];
	v23 =	vmul.f32 v23, v6;
	v21 =	vadd.f32 v24, v21  }
0x48: {  	v20 =	vld [tilespmem:s29+$0xFFFFFFA0];
	v24 =	vmul.f32 v26, v2;
	v17 =	vadd.f32 v22, v17;
	v18 =	vadd.f32 v18, v19  }
0x49: {  	v22 =	vld [tilespmem:s29+$0x50]  }
0x4a: {  	v55 =	vld [tilespmem:s29+$0xFFFFFFB0];
	v56, _, _ =	vpop (xrf2);
	v21 =	vadd.f32 v24, v21;
	v17 =	vadd.f32 v23, v17;
	v23 =	vmul.f32 v52, v3;
	(xrf2) =	vadd.scan.msk.f32 $0xffff, v18  }
0x4b: {  	v58 =	vld [tilespmem:s29+$0xFFFFFFC0];
	s26 =	simm.s32 $0x400;
	v25 =	vmul.f32 v25, v7;
	v18 =	vmul.f32 v27, v0  }
0x4c: {  	v60 =	vld [tilespmem:s26+$0x0];
	v27 =	vmul.f32 v51, v1;
	v21 =	vadd.f32 v23, v21;
	v23 =	vmul.f32 v54, v4  }
0x4d: {  	(v2sf) =	vpush v56, $0xF;
	v19 =	vld [tilespmem:s29+$0x60];
	v20 =	vmul.f32 v20, v2;
	v17 =	vadd.f32 v25, v17  }
0x4e: {  	v25 =	vld [tilespmem:s26+$0x10];
	v18 =	vadd.f32 v27, v18;
	v22 =	vmul.f32 v22, v5;
	v21 =	vadd.f32 v23, v21  }
0x4f: {  	v26 =	vld [tilespmem:s29+$0xFFFFFFD0]  }
0x50: {  	v23 =	vld [tilespmem:s26+$0x20];
	v18 =	vadd.f32 v20, v18;
	v20 =	vmul.f32 v55, v3;
	v21 =	vadd.f32 v22, v21  }
0x51: {  	v57, _, _ =	vpop (xrf2);
	(xrf2) =	vadd.scan.msk.f32 $0xffff, v17  }
0x52: {  	v59 =	vld [tilespmem:s29+$0x70];
	v19 =	vmul.f32 v19, v6;
	v17 =	vadd.f32 v20, v18;
	v18 =	vmul.f32 v58, v4  }
0x53: {  	v29 =	vmul.f32 v60, v0;
	v24 =	vld [tilespmem:s29+$0xFFFFFFE0];
	(v2sf) =	vpush v57, $0xF;
	v25 =	vmul.f32 v25, v1  }
0x54: {  	v19 =	vadd.f32 v19, v21;
	v17 =	vadd.f32 v18, v17;
	v18 =	vmul.f32 v26, v5;
	v26 =	vld [tilespmem:s26+$0x30];
	v21, _, _ =	vpop (xrf2)  }
0x55: {  	v22 =	vld [tilespmem:s26+$0xFFFFFF90];
	v23 =	vmul.f32 v23, v2;
	(v2sf) =	vpush v21, $0xF;
	v21 =	vadd.f32 v25, v29;
	_ =	sdelay $0x1  }
0x56: {  	v21 =	vadd.f32 v23, v21  }
0x57: {  	v27 =	vld [tilespmem:s29+$0xFFFFFFF0];
	v17 =	vadd.f32 v18, v17;
	v18 =	vmul.f32 v24, v6  }
0x58: {  	v23 =	vmul.f32 v26, v3  }
0x59: {  	v62 =	vadd.f32 v18, v17;
	v18 =	vmul.f32 v22, v1;
	v22 =	vmul.f32 v59, v7  }
0x5a: {  	v23 =	vadd.f32 v23, v21;
	v21, _, _ =	vpop (xrf2)  }
0x5b: {  	v20 =	vld [tilespmem:s26+$0xFFFFFF80];
	s30 =	spop (v2sf);
	v22 =	vadd.f32 v22, v19;
	(v2sf) =	vpush v21, $0xF  }
0x5c: {  	v26 =	vmul.f32 v27, v7  }
0x5d: {  	v61 =	vld [tilespmem:s26+$0xFFFFFFA0];
	(xrf2) =	vadd.scan.msk.f32 $0xffff, v22  }
0x5e: {  	v24 =	vld [tilespmem:s26+$0x40];
	v26 =	vadd.f32 v26, v62  }
0x5f: {  	v25 =	vld [tilespmem:s26+$0xFFFFFFB0]  }
0x60: {  	v17 =	vmul.f32 v20, v0;
	v20 =	vld [tilespmem:s26+$0x50];
	(xrf2) =	vadd.scan.msk.f32 $0xffff, v26  }
0x61: {  	v63 =	vld [tilespmem:s26+$0xFFFFFFC0];
	s25 =	smul.f32 $2.000000030e-01, s30;
	s28 =	spop (v2sf)  }
0x62: {  	v30 =	vmul.f32 v61, v2;
	v27 =	vadd.f32 v18, v17;
	v17 =	vld [tilespmem:s26+$0x60];
	s29 =	smul.f32 $2.000000030e-01, s28  }
0x63: {  	v18 =	vld [tilespmem:s26+$0xFFFFFFD0];
	v24 =	vmul.f32 v24, v4  }
0x64: {  	s31 =	simm.s32 $0x0;
	v19 =	vld [tilespmem:s26+$0x70];
	s22 =	smax.f32 s30, s25;
	v27 =	vadd.f32 v30, v27;
	v25 =	vmul.f32 v25, v3;
	s28 =	smax.f32 s28, s29  }
0x65: {  	s25 =	simm.s32 $0x6;
	v22 =	vadd.f32 v24, v23;
	v23 =	vmul.f32 v20, v5;
	[smem:s31] =	sst s28;
	s28 =	smax.f32 s21, s28;
	v21 =	vld [tilespmem:s26+$0xFFFFFFE0]  }
0x66: {  	v20 =	vld [tilespmem:s26+$0xFFFFFFF0];
	v24 =	vadd.f32 v25, v27;
	v25 =	vmul.f32 v63, v4;
	s26 =	simm.s32 $0x500;
	[smem:s24] =	sst s22;
	s22 =	smax.f32 s28, s22  }
.LBB2_3:
0x67: {  	v26 =	vld [tilespmem:s26+$0x0];
	v22 =	vadd.f32 v23, v22;
	v17 =	vmul.f32 v17, v6;
	v23, _, _ =	vpop (xrf2)  }
0x68: {  	v27 =	vld [tilespmem:s26+$0x10];
	v28 =	vadd.f32 v25, v24;
	v18 =	vmul.f32 v18, v5  }
0x69: {  	v25 =	vld [tilespmem:s26+$0x20];
	v17 =	vadd.f32 v17, v22;
	v19 =	vmul.f32 v19, v7;
	s28 =	spop (v2sf)  }
0x6a: {  	v22 =	vld [tilespmem:s26+$0xFFFFFF80];
	v18 =	vadd.f32 v18, v28;
	v21 =	vmul.f32 v21, v6;
	v24, _, _ =	vpop (xrf2);
	(v2sf) =	vpush v23, $0xF;
	s29 =	smul.f32 $2.000000030e-01, s28;
	s30 =	spop (v2sf)  }
0x6b: {  	s25 =	sadd.s32 $0x2, s25;
	v23 =	vld [tilespmem:s26+$0xFFFFFF90];
	v17 =	vadd.f32 v19, v17;
	(v2sf) =	vpush v24, $0xF;
	s31 =	smul.f32 $2.000000030e-01, s30  }
0x6c: {  	s24 =	sadd.s32 $0x2, s24;
	p0 =	slt.u32 s25, $0xF8;
	v20 =	vmul.f32 v20, v7;
	v19 =	vld [tilespmem:s26+$0x30];
	v18 =	vadd.f32 v21, v18  }
0x6d: {  	v24 =	vmul.f32 v26, v0;
	s28 =	smax.f32 s28, s29;
	v21 =	vld [tilespmem:s26+$0xFFFFFFA0];
	v26 =	vmul.f32 v27, v1;
	(xrf2) =	vadd.scan.msk.f32 $0xffff, v17;
	s30 =	smax.f32 s30, s31;
	s31 =	sadd.s32 $0xFFFFFFFF, s24  }
0x6e: {  	v27 =	vld [tilespmem:s26+$0x40];
	v17 =	vadd.f32 v20, v18;
	[smem:s31] =	sst s30;
	s22 =	smax.f32 s22, s30  }
0x6f: {  	v20 =	vld [tilespmem:s26+$0xFFFFFFB0];
	v18 =	vadd.f32 v26, v24;
	v24 =	vmul.f32 v25, v2;
	[smem:s24] =	sst s28;
	s22 =	smax.f32 s22, s28  }
0x70: {  	v22 =	vmul.f32 v22, v0;
	v23 =	vmul.f32 v23, v1;
	v25 =	vld [tilespmem:s26+$0x50];
	(xrf2) =	vadd.scan.msk.f32 $0xffff, v17  }
0x71: {  	v26 =	vld [tilespmem:s26+$0xFFFFFFC0];
	v24 =	vadd.f32 v24, v18;
	v19 =	vmul.f32 v19, v3  }
.Ltmp0:
0x72: {  	v22 =	vadd.f32 v23, v22;
	v21 =	vmul.f32 v21, v2;
	v17 =	vld [tilespmem:s26+$0x60];
	(pc) =	sbr.rel @p0 .LBB2_3-.Ltmp0, $4  }
0x73: {  	v18 =	vld [tilespmem:s26+$0xFFFFFFD0];
	v23 =	vadd.f32 v19, v24;
	v24 =	vmul.f32 v27, v4  }
0x74: {  	v27 =	vadd.f32 v21, v22;
	v20 =	vmul.f32 v20, v3;
	v19 =	vld [tilespmem:s26+$0x70]  }
0x75: {  	v21 =	vld [tilespmem:s26+$0xFFFFFFE0];
	v22 =	vadd.f32 v24, v23;
	v23 =	vmul.f32 v25, v5  }
0x76: {  	v24 =	vadd.f32 v20, v27;
	v25 =	vmul.f32 v26, v4;
	v20 =	vld [tilespmem:s26+$0xFFFFFFF0];
	s26 =	sadd.s32 $0x100, s26  }
0x77: {  	_ = 	snop  }
0x78: {  	v24 =	vadd.f32 v25, v24;
	v18 =	vmul.f32 v18, v5  }
0x79: {  	v22 =	vadd.f32 v23, v22;
	v17 =	vmul.f32 v17, v6  }
0x7a: {  	v18 =	vadd.f32 v18, v24;
	v21 =	vmul.f32 v21, v6  }
0x7b: {  	v17 =	vadd.f32 v17, v22;
	v19 =	vmul.f32 v19, v7  }
0x7c: {  	v20 =	vmul.f32 v20, v7;
	v18 =	vadd.f32 v21, v18  }
0x7d: {  	v17 =	vadd.f32 v19, v17  }
0x7e: {  	v18 =	vadd.f32 v20, v18  }
0x7f: {  	(xrf2) =	vadd.scan.msk.f32 $0xffff, v17  }
0x80: {  	(xrf2) =	vadd.scan.msk.f32 $0xffff, v18;
	_ =	sdelay $0x5  }
0x81: {  	v17, _, _ =	vpop (xrf2)  }
0x82: {  	(v2sf) =	vpush v17, $0xF;
	v18, _, _ =	vpop (xrf2)  }
0x83: {  	(v2sf) =	vpush v18, $0xF  }
0x84: {  	v17, _, _ =	vpop (xrf2)  }
0x85: {  	(v2sf) =	vpush v17, $0xF;
	v18, _, _ =	vpop (xrf2)  }
0x86: {  	(v2sf) =	vpush v18, $0xF;
	_ =	sdelay $0x6  }
0x87: {  	s25 =	spop (v2sf)  }
0x88: {  	s26 =	spop (v2sf);
	s30 =	smul.f32 $2.000000030e-01, s25  }
0x89: {  	s28 =	smul.f32 $2.000000030e-01, s26  }
0x8a: {  	s25 =	smax.f32 s25, s30  }
0x8b: {  	s26 =	smax.f32 s26, s28;
	s29 =	spop (v2sf)  }
0x8c: {  	s22 =	smax.f32 s22, s26;
	s31 =	spop (v2sf)  }
0x8d: {  	s22 =	smax.f32 s22, s25;
	s28 =	smul.f32 $2.000000030e-01, s31  }
0x8e: {  	s2 =	smul.f32 $2.000000030e-01, s29;
	s0 =	spop (v2sf)  }
0x8f: {  	s28 =	smax.f32 s31, s28;
	s31 =	spop (v2sf)  }
0x90: {  	s29 =	smax.f32 s29, s2;
	s30 =	smul.f32 $2.000000030e-01, s31  }
0x91: {  	s22 =	smax.f32 s22, s28;
	s2 =	smul.f32 $2.000000030e-01, s0  }
0x92: {  	s22 =	smax.f32 s22, s29;
	s30 =	smax.f32 s31, s30  }
0x93: {  	s0 =	smax.f32 s0, s2;
	s22 =	smax.f32 s22, s30  }
0x94: {  	s22 =	smax.f32 s22, s0  }
0x95: {  	s2 =	ssub.f32 s21, s22;
	_ =	sdelay $0x1  }
0x96: {  	v17 =	vmov s2  }
0x97: {  	v17 =	vmul.f32 $1.442695020e+00, v17;
	_ =	sdelay $0x1  }
0x98: {  	v17 =	vbroadcast v17, $0x0;
	_ =	sdelay $0x1  }
0x99: {  	(erf) = vpow2.f32 v17;
	_ =	sdelay $0x1  }
0x9a: {  	s2 =	sadd.s32 $0x2, s24  }
0x9b: {  	s31 =	sadd.s32 $0xFFFFFFFF, s2  }
0x9c: {  	s24 =	sadd.s32 $0x2, s2;
	[smem:s31] =	sst s26  }
0x9d: {  	s26 =	sadd.s32 $0xFFFFFFFF, s24;
	[smem:s2] =	sst s25  }
0x9e: {  	s31 =	sadd.s32 $0x2, s24;
	[smem:s26] =	sst s28  }
0x9f: {  	[smem:s24] =	sst s29;
	s24 =	sadd.s32 $0xFFFFFFFF, s31  }
0xa0: {  	[smem:s24] =	sst s30  }
0xa1: {  	s24 =	simm.s32 $0x100;
	[smem:s31] =	sst s0;
	v22 =	vpop (erf)  }
0xa2: {  	v18 =	vld [tilespmem:s24+$0x10];
	s0 =	sld [smem:$0x0];
	_ =	sdelay $0x1  }
0xa3: {  	s25 =	sld [smem:$0x1]  }
0xa4: {  	s0 =	ssub.f32 s0, s22;
	_ =	sdelay $0x1  }
0xa5: {  	v17 =	vmov s0  }
0xa6: {  	s26 =	ssub.f32 s25, s22;
	v19 =	vmul.f32 $1.442695020e+00, v17;
	_ =	sdelay $0x1  }
0xa7: {  	v20 =	vld [tilespmem:s24+$0x0];
	v21 =	vmov s26;
	v19 =	vbroadcast v19, $0x0  }
0xa8: {  	v24 =	vld [tilespmem:s24+$0xFFFFFFF0];
	v23 =	vmul.f32 $1.442695020e+00, v21  }
0xa9: {  	s21 =	simm.s32 $0x200;
	v25 =	vld [tilespmem:s24+$0xFFFFFFA0];
	(erf) = vpow2.f32 v19  }
0xaa: {  	v17 =	vld [tilespmem:s21+$0x10];
	v23 =	vbroadcast v23, $0x0  }
0xab: {  	v21 =	vld [tilespmem:s24+$0xFFFFFFC0]  }
0xac: {  	v19 =	vld [tilespmem:s24+$0x60];
	(erf) = vpow2.f32 v23  }
0xad: {  	v23 =	vld [tilespmem:s24+$0xFFFFFF80];
	s29 =	sld [smem:$0x2]  }
0xae: {  	v26 =	vmul.f32 v22, v9;
	v27 =	vld [tilespmem:s24+$0xFFFFFFE0]  }
0xaf: {  	v16 =	vmul.f32 v22, v16;
	v28 =	vmul.f32 v22, v14;
	v14 =	vld [tilespmem:s24+$0xFFFFFF90];
	s30 =	sld [smem:$0x3]  }
0xb0: {  	v36 =	vmul.f32 v22, v12;
	v9 =	vmul.f32 v22, v15;
	s0 =	ssub.f32 s29, s22  }
0xb1: {  	v12 =	vmul.f32 v22, v13;
	v10 =	vmul.f32 v22, v10;
	v15 =	vld [tilespmem:s24+$0x70]  }
0xb2: {  	v32 =	vmul.f32 v22, v11;
	v11 =	vmul.f32 v22, v8;
	v33 =	vld [tilespmem:s24+$0x50];
	v13 =	vmov s0;
	v8 =	vpop (erf)  }
0xb3: {  	v31 =	vld [tilespmem:s24+$0x30];
	s31 =	ssub.f32 s30, s22;
	v13 =	vmul.f32 $1.442695020e+00, v13;
	v22 =	vmul.f32 v8, v23  }
0xb4: {  	v37 =	vld [tilespmem:s24+$0xFFFFFFD0];
	v35 =	vmul.f32 v24, v8;
	v29 =	vadd.f32 v8, v26;
	v23 =	vmul.f32 v8, v25  }
0xb5: {  	v34 =	vld [tilespmem:s24+$0x40];
	v41 =	vmul.f32 v27, v8;
	v39 =	vmul.f32 v8, v14;
	v30 =	vpop (erf);
	v14 =	vmov s31  }
0xb6: {  	s28 =	simm.s32 $0x300;
	s25 =	simm.s32 $0x2;
	s26 =	simm.s32 $0x3;
	v40 =	vld [tilespmem:s24+$0x20];
	v38 =	vmul.f32 v15, v30;
	v26 =	vadd.f32 v22, v16;
	v36 =	vadd.f32 v23, v36  }
.LBB2_5:
0xb7: {  	v15 =	vld [tilespmem:s28+$0x10];
	s25 =	sadd.s32 $0x2, s25;
	v13 =	vbroadcast v13, $0x0;
	v16 =	vadd.f32 v41, v32;
	v22 =	vmul.f32 v33, v30  }
0xb8: {  	v14 =	vmul.f32 $1.442695020e+00, v14;
	v23 =	vadd.f32 v39, v28;
	p0 =	slt.u32 s25, $0xF8;
	v24 =	vld [tilespmem:s24+$0xFFFFFFB0];
	v25 =	vmul.f32 v30, v31;
	s24 =	smov.u32 s21;
	s21 =	smov.u32 s28  }
0xb9: {  	v11 =	vadd.f32 v35, v11;
	v27 =	vld [tilespmem:s24+$0x0];
	(erf) = vpow2.f32 v13;
	v13 =	vmul.f32 v37, v8  }
0xba: {  	v29 =	vadd.f32 v30, v29;
	v14 =	vbroadcast v14, $0x0;
	v31 =	vld [tilespmem:s24+$0xFFFFFFC0];
	v33 =	vmul.f32 v34, v30  }
0xbb: {  	v32 =	vmul.f32 v19, v30;
	v11 =	vadd.f32 v38, v11;
	v28 =	vmul.f32 v30, v40;
	v19 =	vld [tilespmem:s24+$0x60]  }
0xbc: {  	v10 =	vadd.f32 v13, v10;
	v13 =	vmul.f32 v30, v18;
	v18 =	vmovc v17;
	v34 =	vld [tilespmem:s24+$0xFFFFFFF0];
	(erf) = vpow2.f32 v14;
	v17 =	vmovc v15  }
0xbd: {  	v35 =	vmul.f32 v30, v20;
	v15 =	vmul.f32 v21, v8;
	v14 =	vld [tilespmem:s24+$0xFFFFFFA0];
	v36 =	vadd.f32 v28, v36  }
0xbe: {  	s26 =	sadd.s32 $0x2, s26;
	v8 =	vmul.f32 v8, v24;
	v28 =	vadd.f32 v13, v23;
	v10 =	vadd.f32 v22, v10;
	v30 =	vld [tilespmem:s24+$0xFFFFFF80];
	v20 =	vmovc v27  }
0xbf: {  	v12 =	vadd.f32 v15, v12;
	v15 =	vadd.f32 v35, v26;
	s0 =	sld [smem:s26+$0xFFFFFFFF];
	v13 =	vld [tilespmem:s24+$0xFFFFFFE0];
	v21 =	vmov v31  }
0xc0: {  	v32 =	vadd.f32 v32, v16;
	v9 =	vadd.f32 v8, v9;
	v22 =	vld [tilespmem:s24+$0xFFFFFF90]  }
0xc1: {  	v12 =	vadd.f32 v33, v12;
	s2 =	sld [smem:s26+$0x0];
	v16 =	vld [tilespmem:s24+$0x70]  }
.Ltmp1:
0xc2: {  	v9 =	vadd.f32 v25, v9;
	s0 =	ssub.f32 s0, s22;
	v33 =	vld [tilespmem:s24+$0x50];
	v8 =	vpop (erf);
	(pc) =	sbr.rel @p0 .LBB2_5-.Ltmp1, $4  }
0xc3: {  	v23 =	vmul.f32 v8, v30;
	v35 =	vmul.f32 v34, v8;
	v29 =	vadd.f32 v8, v29;
	v31 =	vld [tilespmem:s24+$0x30]  }
0xc4: {  	v25 =	vmul.f32 v8, v14;
	v24 =	vmov s0;
	s0 =	ssub.f32 s2, s22;
	v37 =	vld [tilespmem:s24+$0xFFFFFFD0];
	v41 =	vmul.f32 v13, v8  }
0xc5: {  	v13 =	vmul.f32 $1.442695020e+00, v24;
	v26 =	vadd.f32 v23, v15;
	v39 =	vmul.f32 v8, v22;
	v34 =	vld [tilespmem:s24+$0x40];
	v30 =	vpop (erf)  }
0xc6: {  	s28 =	sadd.s32 $0x100, s28;
	v36 =	vadd.f32 v25, v36;
	v14 =	vmov s0;
	v40 =	vld [tilespmem:s24+$0x20];
	v38 =	vmul.f32 v16, v30  }
0xc7: {  	v42 =	vld [tilespmem:s24+$0xFFFFFFB0]  }
0xc8: {  	v22 =	vld [tilespmem:s21+$0x0];
	v14 =	vmul.f32 $1.442695020e+00, v14  }
0xc9: {  	v23 =	vld [tilespmem:s21+$0xFFFFFFC0];
	v15 =	vbroadcast v13, $0x0  }
0xca: {  	v13 =	vld [tilespmem:s21+$0x60];
	v14 =	vbroadcast v14, $0x0  }
0xcb: {  	v43 =	vld [tilespmem:s21+$0xFFFFFFF0];
	(erf) = vpow2.f32 v15  }
0xcc: {  	v44 =	vld [tilespmem:s21+$0xFFFFFFA0];
	(erf) = vpow2.f32 v14  }
0xcd: {  	v45 =	vld [tilespmem:s21+$0xFFFFFF80]  }
0xce: {  	v46 =	vld [tilespmem:s21+$0xFFFFFFE0]  }
0xcf: {  	v47 =	vld [tilespmem:s21+$0xFFFFFF90]  }
0xd0: {  	v48 =	vld [tilespmem:s21+$0x70]  }
0xd1: {  	v27 =	vld [tilespmem:s21+$0x50]  }
0xd2: {  	v49 =	vld [tilespmem:s21+$0xFFFFFFD0]  }
0xd3: {  	v50 =	vld [tilespmem:s21+$0x20]  }
0xd4: {  	v25 =	vld [tilespmem:s21+$0xFFFFFFB0];
	p0 =	seq.s32 s20, $0x18;
	v24 =	vpop (erf)  }
0xd5: {  	s0 =	sadd.s32 @!p0 s23, s7;
	v15 =	vld [tilespmem:s21+$0x30];
	v16 =	vpop (erf)  }
0xd6: {  	s30 =	simm.s32 $0x7E00;
	s0 =	sshll.u32 @!p0 s0, $0x4;
	v14 =	vld [tilespmem:s21+$0x40];
	_ =	swait.ge [sflag:s15], $0x7D00  }
0xd7: {  	s2 =	simm.s32 @!p0 $0x0;
	s0 =	sand.u32 @!p0 $0x1FFFFFC0, s0;
	[sflag:s15] =	ssyncset.done $0x0  }
0xd8: {  	s0 =	sadd.s32 @!p0 s1, s0;
	s21 =	simm.s32 @!p0 $0x80;
	[sflag:s15] =	ssyncadd.s32 $0xFFFF8300  }
0xd9: {  	[tilespmem:s21], [sflag:$0x1] =	stream.linear.gather @!p0 [hbm4b:s0+s2], $0x7D00, $0x38;
	[tilespmem:$0xFB20] =	vst v63  }
0xda: {  	v51 =	vld [tilespmem:s30+$0x0]  }
0xdb: {  	v52 =	vld [tilespmem:s30+$0x10]  }
0xdc: {  	v53 =	vld [tilespmem:s30+$0x20]  }
0xdd: {  	v11 =	vadd.f32 v35, v11;
	v32 =	vadd.f32 v41, v32;
	v54 =	vld [tilespmem:s30+$0xFFFFFF80]  }
0xde: {  	v28 =	vadd.f32 v39, v28;
	v18 =	vmul.f32 v30, v18;
	v21 =	vmul.f32 v21, v8;
	v55 =	vld [tilespmem:s30+$0xFFFFFF90]  }
0xdf: {  	v20 =	vmul.f32 v30, v20;
	v29 =	vadd.f32 v30, v29;
	v19 =	vmul.f32 v19, v30;
	v56 =	vld [tilespmem:s30+$0x30]  }
0xe0: {  	v37 =	vmul.f32 v37, v8;
	v11 =	vadd.f32 v38, v11;
	v18 =	vadd.f32 v18, v28;
	v35 =	vld [tilespmem:s30+$0xFFFFFFA0]  }
0xe1: {  	v12 =	vadd.f32 v21, v12;
	v20 =	vadd.f32 v20, v26;
	v58 =	vmul.f32 v34, v30;
	v41 =	vld [tilespmem:s30+$0x40]  }
0xe2: {  	v19 =	vadd.f32 v19, v32;
	v40 =	vmul.f32 v30, v40;
	v8 =	vmul.f32 v8, v42;
	v57 =	vld [tilespmem:s30+$0xFFFFFFB0]  }
0xe3: {  	v33 =	vmul.f32 v33, v30;
	v10 =	vadd.f32 v37, v10;
	v12 =	vadd.f32 v58, v12;
	v37 =	vld [tilespmem:s30+$0x50]  }
0xe4: {  	v31 =	vmul.f32 v30, v31;
	v36 =	vadd.f32 v40, v36;
	v8 =	vadd.f32 v8, v9;
	v28 =	vld [tilespmem:s30+$0xFFFFFFC0]  }
0xe5: {  	v10 =	vadd.f32 v33, v10;
	v33 =	vld [tilespmem:s30+$0x60];
	v26 =	vmul.f32 v51, v0;
	v59 =	vmul.f32 v52, v1  }
0xe6: {  	v31 =	vadd.f32 v31, v8;
	v21 =	vld [tilespmem:s30+$0xFFFFFFD0];
	v60 =	vmul.f32 v54, v0;
	v61 =	vmul.f32 v55, v1  }
0xe7: {  	v62 =	vmul.f32 v24, v45;
	v9 =	vld [tilespmem:s30+$0x70];
	v63 =	vmul.f32 v53, v2;
	v26 =	vadd.f32 v59, v26  }
0xe8: {  	v43 =	vmul.f32 v43, v24;
	v34 =	vld [tilespmem:s30+$0xFFFFFFE0];
	v51 =	vmul.f32 v35, v2;
	v8 =	vadd.f32 v61, v60  }
0xe9: {  	s31 =	simm.s32 $0x7F00;
	v23 =	vmul.f32 v23, v24;
	v40 =	vld [tilespmem:s30+$0xFFFFFFF0];
	v53 =	vmul.f32 v56, v3;
	v26 =	vadd.f32 v63, v26  }
0xea: {  	v20 =	vadd.f32 v62, v20;
	v45 =	vld [tilespmem:s31+$0x0];
	v55 =	vmul.f32 v57, v3;
	v8 =	vadd.f32 v51, v8  }
0xeb: {  	v11 =	vadd.f32 v43, v11;
	v39 =	vld [tilespmem:s31+$0x20];
	v57 =	vmul.f32 v41, v4;
	v26 =	vadd.f32 v53, v26  }
0xec: {  	v17 =	vmul.f32 v16, v17;
	v38 =	vld [tilespmem:s31+$0xFFFFFF80];
	v28 =	vmul.f32 v28, v4;
	v8 =	vadd.f32 v55, v8  }
0xed: {  	v27 =	vmul.f32 v27, v16;
	v52 =	vld [tilespmem:s31+$0x10];
	v59 =	vmul.f32 v37, v5;
	v26 =	vadd.f32 v57, v26  }
0xee: {  	v58 =	vld [tilespmem:s31+$0xFFFFFF90];
	v56 =	vmul.f32 v46, v24;
	v21 =	vmul.f32 v21, v5;
	v8 =	vadd.f32 v28, v8  }
0xef: {  	v30 =	vld [tilespmem:s31+$0x30];
	v62 =	vmul.f32 v33, v6;
	v9 =	vmul.f32 v9, v7;
	v26 =	vadd.f32 v59, v26  }
0xf0: {  	v33 =	vld [tilespmem:s31+$0xFFFFFFB0];
	v40 =	vmul.f32 v40, v7;
	v8 =	vadd.f32 v21, v8;
	v21 =	vmul.f32 v34, v6  }
0xf1: {  	v60 =	vld [tilespmem:s31+$0xFFFFFFA0];
	v61 =	vmul.f32 v24, v47;
	v47 =	vmul.f32 v48, v16;
	v26 =	vadd.f32 v62, v26  }
0xf2: {  	v19 =	vadd.f32 v56, v19;
	v48 =	vld [tilespmem:s31+$0xFFFFFFC0];
	v35 =	vmul.f32 v52, v1;
	v21 =	vadd.f32 v21, v8  }
0xf3: {  	v56 =	vld [tilespmem:s31+$0xFFFFFFE0];
	v8 =	vadd.f32 v47, v11;
	v11 =	vmul.f32 v45, v0;
	v9 =	vadd.f32 v9, v26  }
0xf4: {  	v29 =	vadd.f32 v24, v29;
	v22 =	vmul.f32 v16, v22;
	v28 =	vld [tilespmem:s31+$0x40];
	v26 =	vmul.f32 v49, v24  }
0xf5: {  	v63 =	vld [tilespmem:s31+$0x50];
	v55 =	vmul.f32 v39, v2;
	v21 =	vadd.f32 v40, v21;
	v11 =	vadd.f32 v35, v11;
	(xrf2) =	vadd.scan.msk.f32 $0xffff, v9  }
0xf6: {  	s0 =	simm.s32 $0x8000;
	v18 =	vadd.f32 v61, v18;
	v51 =	vld [tilespmem:s31+$0x60];
	v57 =	vmul.f32 v58, v1;
	v10 =	vadd.f32 v26, v10  }
0xf7: {  	v61 =	vld [tilespmem:s0+$0x10];
	v26 =	vmul.f32 v38, v0;
	v11 =	vadd.f32 v55, v11;
	(xrf2) =	vadd.scan.msk.f32 $0xffff, v21;
	v21 =	vmul.f32 v30, v3  }
0xf8: {  	v23 =	vadd.f32 v23, v12;
	v54 =	vmul.f32 v24, v44;
	v52 =	vld [tilespmem:s31+$0xFFFFFFD0];
	v60 =	vmul.f32 v60, v2  }
0xf9: {  	v53 =	vld [tilespmem:s31+$0x70];
	v28 =	vmul.f32 v28, v4;
	v26 =	vadd.f32 v57, v26;
	v21 =	vadd.f32 v21, v11  }
0xfa: {  	v58 =	vld [tilespmem:s31+$0xFFFFFFF0];
	v10 =	vadd.f32 v27, v10;
	v27 =	vmul.f32 v63, v5;
	v11 =	vadd.f32 v17, v18  }
0xfb: {  	v59 =	vld [tilespmem:s0+$0x0];
	v18 =	vmul.f32 v33, v3;
	v17 =	vadd.f32 v60, v26;
	v21 =	vadd.f32 v28, v21  }
0xfc: {  	v36 =	vadd.f32 v54, v36;
	v54 =	vmul.f32 v16, v50;
	v62 =	vld [tilespmem:s0+$0x20];
	v45 =	vmul.f32 v51, v6  }
0xfd: {  	v63 =	vld [tilespmem:s0+$0xFFFFFF90];
	v17 =	vadd.f32 v18, v17;
	v18 =	vmul.f32 v48, v4;
	v21 =	vadd.f32 v27, v21  }
0xfe: {  	v12 =	vadd.f32 v22, v20;
	v24 =	vmul.f32 v24, v25;
	v25 =	vmul.f32 v53, v7;
	v26 =	vld [tilespmem:s0+$0xFFFFFF80]  }
0xff: {  	v44 =	vld [tilespmem:s0+$0x30];
	v17 =	vadd.f32 v18, v17;
	v18 =	vmul.f32 v52, v5;
	v21 =	vadd.f32 v45, v21;
	v22, _, _ =	vpop (xrf2)  }
0x100: {  	v48 =	vmul.f32 v61, v1;
	v27 =	vld [tilespmem:s0+$0xFFFFFFA0];
	(v2sf) =	vpush v22, $0xF;
	v22 =	vmul.f32 v59, v0  }
0x101: {  	v46 =	vld [tilespmem:s0+$0x40];
	v17 =	vadd.f32 v18, v17;
	v21 =	vadd.f32 v25, v21;
	v25 =	vmul.f32 v56, v6  }
0x102: {  	v20 =	vld [tilespmem:s0+$0xFFFFFFB0];
	v51 =	vmul.f32 v58, v7;
	v52 =	vmul.f32 v62, v2;
	v22 =	vadd.f32 v48, v22  }
0x103: {  	v50 =	vld [tilespmem:s0+$0x60];
	v47, _, _ =	vpop (xrf2);
	v17 =	vadd.f32 v25, v17;
	v25 =	vmul.f32 v26, v0;
	v26 =	vmul.f32 v63, v1  }
0x104: {  	s25 =	simm.s32 $0x8100;
	v49 =	vld [tilespmem:s0+$0xFFFFFFC0];
	(v2sf) =	vpush v47, $0xF;
	(xrf2) =	vadd.scan.msk.f32 $0xffff, v21;
	v21 =	vadd.f32 v52, v22;
	v22 =	vmul.f32 v44, v3  }
0x105: {  	v57 =	vld [tilespmem:s25+$0x0];
	v25 =	vadd.f32 v26, v25;
	v26 =	vmul.f32 v27, v2  }
0x106: {  	v18 =	vld [tilespmem:s0+$0x50];
	v17 =	vadd.f32 v51, v17;
	v21 =	vadd.f32 v22, v21;
	v22 =	vmul.f32 v46, v4  }
0x107: {  	v20 =	vmul.f32 v20, v3;
	v25 =	vadd.f32 v26, v25;
	v26 =	vld [tilespmem:s25+$0x10]  }
0x108: {  	v13 =	vmul.f32 v13, v16;
	(xrf2) =	vadd.scan.msk.f32 $0xffff, v17;
	v21 =	vadd.f32 v22, v21;
	v22 =	vld [tilespmem:s25+$0x20]  }
0x109: {  	v17 =	vadd.f32 v20, v25;
	v25 =	vld [tilespmem:s25+$0x30]  }
0x10a: {  	v13 =	vadd.f32 v13, v19;
	v53 =	vld [tilespmem:s0+$0xFFFFFFD0];
	v19 =	vmul.f32 v49, v4  }
0x10b: {  	v9 =	vadd.f32 v54, v36;
	v58 =	vmul.f32 v57, v0;
	v56 =	vmul.f32 v14, v16  }
0x10c: {  	v54 =	vld [tilespmem:s0+$0x70];
	v14 =	vadd.f32 v16, v29;
	v16 =	vmul.f32 v16, v15;
	v26 =	vmul.f32 v26, v1  }
0x10d: {  	v55 =	vld [tilespmem:s0+$0xFFFFFFE0];
	v15 =	vadd.f32 v56, v23;
	v23 =	vmul.f32 v50, v6;
	v18 =	vmul.f32 v18, v5  }
0x10e: {  	v26 =	vadd.f32 v26, v58;
	v22 =	vmul.f32 v22, v2;
	v25 =	vmul.f32 v25, v3  }
0x10f: {  	v27 =	vld [tilespmem:s0+$0xFFFFFFF0];
	v18 =	vadd.f32 v18, v21;
	v17 =	vadd.f32 v19, v17;
	v19 =	vmul.f32 v53, v5  }
0x110: {  	v24 =	vadd.f32 v24, v31;
	v22 =	vadd.f32 v22, v26  }
0x111: {  	v18 =	vadd.f32 v23, v18;
	v23 =	vmul.f32 v54, v7;
	v17 =	vadd.f32 v19, v17;
	v59, _, _ =	vpop (xrf2)  }
0x112: {  	v30 =	vmul.f32 v55, v6;
	v20 =	vld [tilespmem:s25+$0xFFFFFF80];
	s2 =	spop (v2sf);
	(v2sf) =	vpush v59, $0xF;
	v22 =	vadd.f32 v25, v22;
	v25, _, _ =	vpop (xrf2)  }
0x113: {  	v21 =	vld [tilespmem:s25+$0xFFFFFF90];
	v23 =	vadd.f32 v23, v18;
	s29 =	spop (v2sf);
	(v2sf) =	vpush v25, $0xF  }
0x114: {  	v62 =	vadd.f32 v30, v17;
	v26 =	vmul.f32 v27, v7  }
0x115: {  	v16 =	vadd.f32 v16, v24;
	v24 =	vld [tilespmem:s25+$0xFFFFFFA0];
	(xrf2) =	vadd.scan.msk.f32 $0xffff, v23  }
0x116: {  	v19 =	vld [tilespmem:s25+$0x40];
	v26 =	vadd.f32 v26, v62  }
0x117: {  	v60 =	vld [tilespmem:s25+$0xFFFFFFB0]  }
0x118: {  	v61 =	vld [tilespmem:s25+$0x50];
	v20 =	vmul.f32 v20, v0;
	v21 =	vmul.f32 v21, v1;
	(xrf2) =	vadd.scan.msk.f32 $0xffff, v26  }
0x119: {  	v63 =	vld [tilespmem:s25+$0xFFFFFFC0];
	s28 =	smul.f32 $2.000000030e-01, s2  }
0x11a: {  	v17 =	vld [tilespmem:s25+$0x60];
	s30 =	smul.f32 $2.000000030e-01, s29;
	v20 =	vadd.f32 v21, v20;
	v21 =	vmul.f32 v24, v2  }
0x11b: {  	s26 =	simm.s32 $0x0;
	v18 =	vld [tilespmem:s25+$0xFFFFFFD0];
	v24 =	vmul.f32 v19, v4  }
0x11c: {  	s24 =	simm.s32 $0x6;
	v27 =	vmul.f32 v60, v3;
	v19 =	vld [tilespmem:s25+$0x70];
	s0 =	smax.f32 s2, s28;
	s21 =	smax.f32 s29, s30;
	v20 =	vadd.f32 v21, v20  }
0x11d: {  	s23 =	simm.s32 $0x1;
	v23 =	vmul.f32 v61, v5;
	v21 =	vld [tilespmem:s25+$0xFFFFFFE0];
	v22 =	vadd.f32 v24, v22;
	[smem:s26] =	sst s21;
	s31 =	smax.f32 s22, s21  }
0x11e: {  	v25 =	vmul.f32 v63, v4;
	[smem:s23] =	sst s0;
	s21 =	smax.f32 s31, s0;
	v24 =	vadd.f32 v27, v20;
	v20 =	vld [tilespmem:s25+$0xFFFFFFF0];
	s25 =	simm.s32 $0x8200  }
.LBB2_7:
0x11f: {  	v26 =	vld [tilespmem:s25+$0x0];
	v22 =	vadd.f32 v23, v22;
	v17 =	vmul.f32 v17, v6;
	v23, _, _ =	vpop (xrf2)  }
0x120: {  	v27 =	vld [tilespmem:s25+$0x10];
	v28 =	vadd.f32 v25, v24;
	v18 =	vmul.f32 v18, v5  }
0x121: {  	v25 =	vld [tilespmem:s25+$0x20];
	v17 =	vadd.f32 v17, v22;
	v19 =	vmul.f32 v19, v7;
	s0 =	spop (v2sf)  }
0x122: {  	v22 =	vld [tilespmem:s25+$0xFFFFFF80];
	v18 =	vadd.f32 v18, v28;
	v21 =	vmul.f32 v21, v6;
	v24, _, _ =	vpop (xrf2);
	(v2sf) =	vpush v23, $0xF;
	s2 =	smul.f32 $2.000000030e-01, s0;
	s26 =	spop (v2sf)  }
0x123: {  	s24 =	sadd.s32 $0x2, s24;
	v23 =	vld [tilespmem:s25+$0xFFFFFF90];
	v17 =	vadd.f32 v19, v17;
	(v2sf) =	vpush v24, $0xF;
	s28 =	smul.f32 $2.000000030e-01, s26  }
0x124: {  	s23 =	sadd.s32 $0x2, s23;
	p0 =	slt.u32 s24, $0xF8;
	v20 =	vmul.f32 v20, v7;
	v19 =	vld [tilespmem:s25+$0x30];
	v18 =	vadd.f32 v21, v18  }
0x125: {  	v24 =	vmul.f32 v26, v0;
	s0 =	smax.f32 s0, s2;
	v21 =	vld [tilespmem:s25+$0xFFFFFFA0];
	v26 =	vmul.f32 v27, v1;
	(xrf2) =	vadd.scan.msk.f32 $0xffff, v17;
	s26 =	smax.f32 s26, s28;
	s28 =	sadd.s32 $0xFFFFFFFF, s23  }
0x126: {  	v27 =	vld [tilespmem:s25+$0x40];
	v17 =	vadd.f32 v20, v18;
	[smem:s28] =	sst s26;
	s2 =	smax.f32 s21, s26  }
0x127: {  	v20 =	vld [tilespmem:s25+$0xFFFFFFB0];
	v18 =	vadd.f32 v26, v24;
	v24 =	vmul.f32 v25, v2;
	[smem:s23] =	sst s0;
	s21 =	smax.f32 s2, s0  }
0x128: {  	v22 =	vmul.f32 v22, v0;
	v23 =	vmul.f32 v23, v1;
	v25 =	vld [tilespmem:s25+$0x50];
	(xrf2) =	vadd.scan.msk.f32 $0xffff, v17  }
0x129: {  	v26 =	vld [tilespmem:s25+$0xFFFFFFC0];
	v24 =	vadd.f32 v24, v18;
	v19 =	vmul.f32 v19, v3  }
.Ltmp2:
0x12a: {  	v22 =	vadd.f32 v23, v22;
	v21 =	vmul.f32 v21, v2;
	v17 =	vld [tilespmem:s25+$0x60];
	(pc) =	sbr.rel @p0 .LBB2_7-.Ltmp2, $4  }
0x12b: {  	v18 =	vld [tilespmem:s25+$0xFFFFFFD0];
	v23 =	vadd.f32 v19, v24;
	v24 =	vmul.f32 v27, v4  }
0x12c: {  	v27 =	vadd.f32 v21, v22;
	v20 =	vmul.f32 v20, v3;
	v19 =	vld [tilespmem:s25+$0x70]  }
0x12d: {  	v21 =	vld [tilespmem:s25+$0xFFFFFFE0];
	v22 =	vadd.f32 v24, v23;
	v23 =	vmul.f32 v25, v5  }
0x12e: {  	v24 =	vadd.f32 v20, v27;
	v25 =	vmul.f32 v26, v4;
	v20 =	vld [tilespmem:s25+$0xFFFFFFF0];
	s25 =	sadd.s32 $0x100, s25  }
0x12f: {  	_ = 	snop  }
0x130: {  	v24 =	vadd.f32 v25, v24;
	v18 =	vmul.f32 v18, v5  }
0x131: {  	v22 =	vadd.f32 v23, v22;
	v17 =	vmul.f32 v17, v6  }
0x132: {  	v18 =	vadd.f32 v18, v24;
	v21 =	vmul.f32 v21, v6  }
0x133: {  	v17 =	vadd.f32 v17, v22;
	v19 =	vmul.f32 v19, v7  }
0x134: {  	v20 =	vmul.f32 v20, v7;
	v18 =	vadd.f32 v21, v18  }
0x135: {  	v17 =	vadd.f32 v19, v17  }
0x136: {  	v18 =	vadd.f32 v20, v18  }
0x137: {  	(xrf2) =	vadd.scan.msk.f32 $0xffff, v17  }
0x138: {  	(xrf2) =	vadd.scan.msk.f32 $0xffff, v18;
	_ =	sdelay $0x5  }
0x139: {  	v17, _, _ =	vpop (xrf2)  }
0x13a: {  	(v2sf) =	vpush v17, $0xF;
	v18, _, _ =	vpop (xrf2)  }
0x13b: {  	(v2sf) =	vpush v18, $0xF  }
0x13c: {  	v17, _, _ =	vpop (xrf2)  }
0x13d: {  	(v2sf) =	vpush v17, $0xF;
	v18, _, _ =	vpop (xrf2)  }
0x13e: {  	(v2sf) =	vpush v18, $0xF;
	_ =	sdelay $0x6  }
0x13f: {  	s0 =	spop (v2sf)  }
0x140: {  	s2 =	spop (v2sf);
	s26 =	smul.f32 $2.000000030e-01, s0  }
0x141: {  	s24 =	smul.f32 $2.000000030e-01, s2  }
0x142: {  	s0 =	smax.f32 s0, s26  }
0x143: {  	s2 =	smax.f32 s2, s24;
	s25 =	spop (v2sf)  }
0x144: {  	s21 =	smax.f32 s21, s2;
	s28 =	spop (v2sf)  }
0x145: {  	s21 =	smax.f32 s21, s0;
	s26 =	smul.f32 $2.000000030e-01, s28  }
0x146: {  	s30 =	smul.f32 $2.000000030e-01, s25;
	s29 =	spop (v2sf)  }
0x147: {  	s24 =	smax.f32 s28, s26;
	s28 =	spop (v2sf)  }
0x148: {  	s25 =	smax.f32 s25, s30;
	s31 =	smul.f32 $2.000000030e-01, s28  }
0x149: {  	s21 =	smax.f32 s21, s24;
	s30 =	smul.f32 $2.000000030e-01, s29  }
0x14a: {  	s21 =	smax.f32 s21, s25;
	s26 =	smax.f32 s28, s31  }
0x14b: {  	s29 =	smax.f32 s29, s30;
	s21 =	smax.f32 s21, s26  }
0x14c: {  	s21 =	smax.f32 s21, s29  }
0x14d: {  	s22 =	ssub.f32 s22, s21;
	_ =	sdelay $0x1  }
0x14e: {  	v17 =	vmov s22  }
0x14f: {  	v17 =	vmul.f32 $1.442695020e+00, v17;
	_ =	sdelay $0x1  }
0x150: {  	v17 =	vbroadcast v17, $0x0;
	_ =	sdelay $0x1  }
0x151: {  	(erf) = vpow2.f32 v17;
	_ =	sdelay $0x1  }
0x152: {  	s30 =	sadd.s32 $0x2, s23  }
0x153: {  	s23 =	sadd.s32 $0xFFFFFFFF, s30  }
0x154: {  	[smem:s23] =	sst s2;
	s31 =	sadd.s32 $0x2, s30  }
0x155: {  	[smem:s30] =	sst s0;
	s23 =	sadd.s32 $0xFFFFFFFF, s31  }
0x156: {  	[smem:s23] =	sst s24;
	s24 =	sadd.s32 $0x2, s31  }
0x157: {  	[smem:s31] =	sst s25;
	s25 =	sadd.s32 $0xFFFFFFFF, s24  }
0x158: {  	[smem:s25] =	sst s26  }
0x159: {  	s23 =	simm.s32 $0x7E00;
	[smem:s24] =	sst s29;
	v22 =	vpop (erf)  }
0x15a: {  	v18 =	vld [tilespmem:s23+$0x10];
	s0 =	sld [smem:$0x0];
	_ =	sdelay $0x1  }
0x15b: {  	s26 =	sld [smem:$0x1]  }
0x15c: {  	s0 =	ssub.f32 s0, s21;
	_ =	sdelay $0x1  }
0x15d: {  	v17 =	vmov s0  }
0x15e: {  	s28 =	ssub.f32 s26, s21;
	v19 =	vmul.f32 $1.442695020e+00, v17;
	_ =	sdelay $0x1  }
0x15f: {  	v20 =	vld [tilespmem:s23+$0x0];
	v21 =	vmov s28;
	v19 =	vbroadcast v19, $0x0  }
0x160: {  	v25 =	vld [tilespmem:s23+$0xFFFFFFF0];
	v23 =	vmul.f32 $1.442695020e+00, v21  }
0x161: {  	s22 =	simm.s32 $0x7F00;
	v27 =	vld [tilespmem:s23+$0xFFFFFFA0];
	(erf) = vpow2.f32 v19  }
0x162: {  	v17 =	vld [tilespmem:s22+$0x10];
	v23 =	vbroadcast v23, $0x0  }
0x163: {  	v21 =	vld [tilespmem:s23+$0xFFFFFFC0]  }
0x164: {  	v19 =	vld [tilespmem:s23+$0x60];
	(erf) = vpow2.f32 v23  }
0x165: {  	v23 =	vld [tilespmem:s23+$0xFFFFFF80];
	s29 =	sld [smem:$0x2]  }
0x166: {  	v28 =	vmul.f32 v22, v14;
	v29 =	vld [tilespmem:s23+$0xFFFFFFE0]  }
0x167: {  	v30 =	vmul.f32 v22, v12;
	v14 =	vmul.f32 v22, v11;
	v32 =	vld [tilespmem:s23+$0xFFFFFF90];
	s30 =	sld [smem:$0x3]  }
0x168: {  	v35 =	vmul.f32 v22, v9;
	v9 =	vmul.f32 v22, v16;
	s0 =	ssub.f32 s29, s21  }
0x169: {  	v11 =	vmul.f32 v22, v15;
	v10 =	vmul.f32 v22, v10;
	v36 =	vld [tilespmem:s23+$0x70]  }
0x16a: {  	v24 =	vmul.f32 v22, v13;
	v12 =	vmul.f32 v22, v8;
	v26 =	vld [tilespmem:s23+$0x50];
	s31 =	ssub.f32 s30, s21;
	v15 =	vmov s0;
	v8 =	vpop (erf)  }
0x16b: {  	v16 =	vld [tilespmem:s23+$0x30];
	v33 =	vmul.f32 $1.442695020e+00, v15;
	v13 =	vmul.f32 v8, v23  }
0x16c: {  	v34 =	vmov s31;
	v25 =	vmul.f32 v25, v8;
	v23 =	vmul.f32 v8, v27;
	v27 =	vld [tilespmem:s23+$0xFFFFFFD0]  }
0x16d: {  	v22 =	vadd.f32 v8, v28;
	v31 =	vmul.f32 v29, v8;
	v32 =	vmul.f32 v8, v32;
	v28 =	vld [tilespmem:s23+$0x40];
	v15 =	vpop (erf)  }
0x16e: {  	s25 =	simm.s32 $0x3;
	s24 =	simm.s32 $0x2;
	s26 =	simm.s32 $0x8000;
	v29 =	vmul.f32 v36, v15;
	v13 =	vadd.f32 v13, v30;
	v23 =	vadd.f32 v23, v35;
	v30 =	vld [tilespmem:s23+$0x20]  }
.LBB2_9:
0x16f: {  	v35 =	vld [tilespmem:s26+$0x10];
	s24 =	sadd.s32 $0x2, s24;
	v33 =	vbroadcast v33, $0x0;
	v24 =	vadd.f32 v31, v24;
	v26 =	vmul.f32 v26, v15  }
0x170: {  	v31 =	vmul.f32 $1.442695020e+00, v34;
	v14 =	vadd.f32 v32, v14;
	p0 =	slt.u32 s24, $0xF8;
	v32 =	vld [tilespmem:s23+$0xFFFFFFB0];
	v16 =	vmul.f32 v15, v16;
	s23 =	smov.u32 s22;
	s22 =	smov.u32 s26  }
0x171: {  	v12 =	vadd.f32 v25, v12;
	v34 =	vld [tilespmem:s23+$0x0];
	(erf) = vpow2.f32 v33;
	v27 =	vmul.f32 v27, v8  }
0x172: {  	v22 =	vadd.f32 v15, v22;
	v31 =	vbroadcast v31, $0x0;
	v25 =	vld [tilespmem:s23+$0xFFFFFFC0];
	v28 =	vmul.f32 v28, v15  }
0x173: {  	v33 =	vmul.f32 v19, v15;
	v12 =	vadd.f32 v29, v12;
	v30 =	vmul.f32 v15, v30;
	v19 =	vld [tilespmem:s23+$0x60]  }
0x174: {  	v10 =	vadd.f32 v27, v10;
	v27 =	vmul.f32 v15, v18;
	v18 =	vmovc v17;
	v29 =	vld [tilespmem:s23+$0xFFFFFFF0];
	(erf) = vpow2.f32 v31;
	v17 =	vmovc v35  }
0x175: {  	v15 =	vmul.f32 v15, v20;
	v35 =	vmul.f32 v21, v8;
	v31 =	vld [tilespmem:s23+$0xFFFFFFA0];
	v23 =	vadd.f32 v30, v23  }
0x176: {  	s25 =	sadd.s32 $0x2, s25;
	v8 =	vmul.f32 v8, v32;
	v14 =	vadd.f32 v27, v14;
	v10 =	vadd.f32 v26, v10;
	v30 =	vld [tilespmem:s23+$0xFFFFFF80];
	v20 =	vmovc v34  }
0x177: {  	v13 =	vadd.f32 v15, v13;
	v11 =	vadd.f32 v35, v11;
	s0 =	sld [smem:s25+$0xFFFFFFFF];
	v32 =	vld [tilespmem:s23+$0xFFFFFFE0];
	v21 =	vmov v25  }
0x178: {  	v24 =	vadd.f32 v33, v24;
	v9 =	vadd.f32 v8, v9;
	v15 =	vld [tilespmem:s23+$0xFFFFFF90]  }
0x179: {  	v11 =	vadd.f32 v28, v11;
	s2 =	sld [smem:s25+$0x0];
	v35 =	vld [tilespmem:s23+$0x70]  }
.Ltmp3:
0x17a: {  	v9 =	vadd.f32 v16, v9;
	s0 =	ssub.f32 s0, s21;
	v26 =	vld [tilespmem:s23+$0x50];
	v8 =	vpop (erf);
	(pc) =	sbr.rel @p0 .LBB2_9-.Ltmp3, $4  }
0x17b: {  	v28 =	vmul.f32 v8, v30;
	v25 =	vmul.f32 v29, v8;
	v22 =	vadd.f32 v8, v22;
	v16 =	vld [tilespmem:s23+$0x30]  }
0x17c: {  	v30 =	vmul.f32 v8, v31;
	v29 =	vmov s0;
	s0 =	ssub.f32 s2, s21;
	v27 =	vld [tilespmem:s23+$0xFFFFFFD0];
	v31 =	vmul.f32 v32, v8  }
0x17d: {  	v33 =	vmul.f32 $1.442695020e+00, v29;
	v13 =	vadd.f32 v28, v13;
	v32 =	vmul.f32 v8, v15;
	v28 =	vld [tilespmem:s23+$0x40];
	v15 =	vpop (erf)  }
0x17e: {  	s26 =	sadd.s32 $0x100, s26;
	v23 =	vadd.f32 v30, v23;
	v34 =	vmov s0;
	v30 =	vld [tilespmem:s23+$0x20];
	v29 =	vmul.f32 v35, v15  }
0x17f: {  	v33 =	vbroadcast v33, $0x0;
	_ =	sdelay $0x1  }
0x180: {  	v34 =	vmul.f32 $1.442695020e+00, v34;
	v35 =	vld [tilespmem:s23+$0xFFFFFFB0];
	(erf) = vpow2.f32 v33  }
0x181: {  	v45 =	vld [tilespmem:s22+$0x60]  }
0x182: {  	v24 =	vadd.f32 v31, v24;
	v14 =	vadd.f32 v32, v14;
	v46 =	vld [tilespmem:s22+$0xFFFFFFF0];
	v44 =	vbroadcast v34, $0x0  }
0x183: {  	v26 =	vmul.f32 v26, v15;
	v12 =	vadd.f32 v25, v12;
	v47 =	vld [tilespmem:s22+$0xFFFFFFA0];
	v18 =	vmul.f32 v15, v18  }
0x184: {  	v22 =	vadd.f32 v15, v22;
	v48 =	vld [tilespmem:s22+$0xFFFFFF80];
	v21 =	vmul.f32 v21, v8;
	(erf) = vpow2.f32 v44  }
0x185: {  	v49 =	vld [tilespmem:s22+$0xFFFFFFE0];
	v20 =	vmul.f32 v15, v20;
	v19 =	vmul.f32 v19, v15;
	v12 =	vadd.f32 v29, v12  }
0x186: {  	v50 =	vld [tilespmem:s22+$0xFFFFFF90];
	v27 =	vmul.f32 v27, v8;
	v14 =	vadd.f32 v18, v14;
	v11 =	vadd.f32 v21, v11  }
0x187: {  	v51 =	vld [tilespmem:s22+$0x50];
	v13 =	vadd.f32 v20, v13;
	v28 =	vmul.f32 v28, v15;
	v8 =	vmul.f32 v8, v35  }
0x188: {  	v53 =	vld [tilespmem:s22+$0xFFFFFFD0];
	v19 =	vadd.f32 v19, v24;
	v30 =	vmul.f32 v15, v30;
	v10 =	vadd.f32 v27, v10  }
0x189: {  	v18 =	vld [tilespmem:s22+$0x70];
	v15 =	vmul.f32 v15, v16;
	v11 =	vadd.f32 v28, v11;
	v8 =	vadd.f32 v8, v9;
	v16 =	vpop (erf)  }
0x18a: {  	v23 =	vadd.f32 v30, v23;
	v10 =	vadd.f32 v26, v10;
	v9 =	vld [tilespmem:s22+$0x30];
	v52 =	vmul.f32 v16, v48  }
0x18b: {  	v54 =	vld [tilespmem:s22+$0x20];
	v15 =	vadd.f32 v15, v8;
	v8 =	vmul.f32 v46, v16;
	v25 =	vmul.f32 v16, v47  }
0x18c: {  	v55 =	vld [tilespmem:s22+$0xFFFFFFC0];
	v22 =	vadd.f32 v16, v22;
	v29 =	vmul.f32 v49, v16;
	v27 =	vmul.f32 v16, v50  }
0x18d: {  	v58 =	vld [tilespmem:s22+$0xFFFFFFB0];
	v24 =	vmul.f32 v53, v16;
	v56 =	vpop (erf);
	v13 =	vadd.f32 v52, v13;
	v57 =	vadd.f32 v25, v23  }
0x18e: {  	v59 =	vld [tilespmem:s22+$0x0];
	v18 =	vmul.f32 v18, v56;
	v19 =	vadd.f32 v29, v19;
	v21 =	vmul.f32 v51, v56  }
0x18f: {  	v60 =	vld [tilespmem:s22+$0x40];
	v14 =	vadd.f32 v27, v14;
	v61 =	vmul.f32 v56, v9;
	v8 =	vadd.f32 v8, v12  }
0x190: {  	s20 =	sadd.s32 $0x1, s20;
	v9 =	vadd.f32 v56, v22;
	v12 =	vmul.f32 v56, v54;
	v62 =	vmul.f32 v45, v56  }
0x191: {  	p0 =	sne.s32 s20, $0x19;
	v10 =	vadd.f32 v24, v10;
	v17 =	vmul.f32 v56, v17;
	v8 =	vadd.f32 v18, v8  }
.Ltmp4:
0x192: {  	v18 =	vmul.f32 v55, v16;
	v12 =	vadd.f32 v12, v57;
	v16 =	vmul.f32 v16, v58;
	(pc) =	sbr.rel @p0 .LBB2_2-.Ltmp4, $4  }
0x193: {  	v63 =	vmul.f32 v56, v59;
	v14 =	vadd.f32 v17, v14;
	v10 =	vadd.f32 v21, v10  }
0x194: {  	v17 =	vmul.f32 v60, v56;
	v18 =	vadd.f32 v18, v11;
	v15 =	vadd.f32 v16, v15  }
0x195: {  	v16 =	vadd.f32 v63, v13;
	v11 =	vadd.f32 v62, v19  }
0x196: {  	v13 =	vadd.f32 v17, v18;
	v15 =	vadd.f32 v61, v15  }
0x197: {  	[tilespmem:$0xFA80] =	vst v16  }
0x198: {  	[tilespmem:$0xFA90] =	vst v14  }
0x199: {  	[tilespmem:$0xFAA0] =	vst v12  }
0x19a: {  	[tilespmem:$0xFAD0] =	vst v10  }
0x19b: {  	[tilespmem:$0xFAE0] =	vst v11  }
0x19c: {  	[tilespmem:$0xFAF0] =	vst v8  }
0x19d: {  	[tilespmem:$0xFAB0] =	vst v15  }
0x19e: {  	v0 =	vmov s21;
	v1 =	vmul.f32 $6.250000000e-02, v9;
	[tilespmem:$0xFAC0] =	vst v13  }
0x19f: {  	[tilespmem:$0xFB00] =	vst v0  }
0x1a0: {  	[tilespmem:$0xFB10] =	vst v1  }
0x1a1: {  	[hbm4b:s8+s3] =	stream.linear.scatter [tilespmem:s16], [sflag:$0x3], $0x80, $0x38;
	[tilespmem:$0xFB20] =	vst v63  }
0x1a2: {  	_ =	swait.ge [sflag:s12], $0x80  }
0x1a3: {  	[sflag:s12] =	ssyncset.done $0x0  }
0x1a4: {  	[sflag:s12] =	ssyncadd.s32 $0xFFFFFF80  }
0x1a5: {  	[hbm4b:s9+s3] =	stream.linear.scatter [tilespmem:s17], [sflag:$0x3], $0x10, $0x38;
	[tilespmem:$0xFB20] =	vst v63  }
0x1a6: {  	s19 =	sadd.s32 $0x1, s19;
	_ =	swait.ge [sflag:s12], $0x10  }
0x1a7: {  	p0 =	sne.s32 s19, s11;
	[sflag:s12] =	ssyncset.done $0x0  }
.Ltmp5:
0x1a8: {  	[sflag:s12] =	ssyncadd.s32 $0xFFFFFFF0;
	(pc) =	sbr.rel @p0 .LBB2_1-.Ltmp5, $4  }
0x1a9: {  	[hbm4b:s10+s3] =	stream.linear.scatter [tilespmem:s18], [sflag:$0x3], $0x10, $0x38;
	[tilespmem:$0xFB20] =	vst v63  }
0x1aa: {  	_ =	swait.ge [sflag:s12], $0x10  }
0x1ab: {  	[sflag:s12] =	ssyncset.done $0x0  }
0x1ac: {  	[sflag:s12] =	ssyncadd.s32 $0xFFFFFFF0  }
0x1ad: {  	_ =	sfence.sel $0x180000  }
0x1ae: {  	[bflag:$0x0] =	sbarrier.arrive $0xFFFF  }
0x1af: {  	_ =	strace $0x90000047  }
0x1b0: {  	s0 =	stileid.u32;
	[bflag:$0x2] =	sbarrier.arrive $0xFFFF  }
0x1b1: {  	p0 =	sne.s32 s0, $0x0;
	s0 =	rddreg [dreg:$0x3]  }
0x1b2: {  	s0 =	sadd.s32 @!p0 $0x100000, s0  }
0x1b3: {  	[sflag:s0] =	ssyncadd.tile.s32 @!p0 $0x1;
	_ =	shalt  }
.Lfunc_end2:
_tile_overlayer_lowered:
.L_overlay_start_2:
0x1b4: {  	(tag) =	ssettag $0x2  }
0x1b5: {  	s0 =	rddreg [dreg:$0x0];
	s2 =	stileid.u32  }
0x1b6: {  	s1 =	rddreg [dreg:$0x1];
	p0 =	sne.s32 s2, $0x0  }
0x1b7: {  	s3 =	rddreg [dreg:$0x2];
	[bflag:$0x3] =	sbarrier.arrive $0xFFFF;
	s2 =	simm.s32 @!p0 $0x1C03  }
0x1b8: {  	[timem:s3], [sflag:s2] =	dma.local @!p0 [hbm:s0], s1  }
0x1b9: {  	s0 =	simm.s32 @!p0 $0x3  }
0x1ba: {  	_ =	swait.ge @!p0 [sflag:s0], s1  }
0x1bb: {  	s1 =	ssub.s32 @!p0 $0x0, s1;
	[sflag:s0] =	ssyncset.done @!p0 $0x0  }
0x1bc: {  	[sflag:s0] =	ssyncadd.s32 @!p0 s1  }
0x1bd: {  	[bflag:$0x3] =	sbarrier.arrive $0xFFFF  }
0x1be: {  	_ =	shalt  }

</sc_bundles>
